<compile_context>
chip_gen: v7x
topology: tpu7x:2x2x1
jax: 0.10.2.dev20260603
libtpu: 0.0.44.dev20260713+nightly
codegen_flags: <defaults>
</compile_context>

<pallas_src>
import functools

import jax
import jax.numpy as jnp
from jax import lax
from jax.experimental import pallas as pl
from jax.experimental.pallas import tpu as pltpu
from jax.experimental.pallas import tpu_sc as plsc

EMBED_DIM = 768
BATCH = 4
SEQ_LEN = 8192

NUM_CORES = 2
NUM_SUBCORES = 16
NUM_WORKERS = NUM_CORES * NUM_SUBCORES
TOTAL = BATCH * SEQ_LEN
PER_WORKER = TOTAL // NUM_WORKERS
CHUNK = 64
NUM_CHUNKS = PER_WORKER // CHUNK

_mesh = plsc.VectorSubcoreMesh(core_axis_name="c", subcore_axis_name="s")


@functools.partial(
    pl.kernel,
    mesh=_mesh,
    out_type=jax.ShapeDtypeStruct((TOTAL, EMBED_DIM), jnp.float32),
    scratch_types=[
        pltpu.VMEM((NUM_CHUNKS, CHUNK), jnp.int32),
        pltpu.VMEM((CHUNK, EMBED_DIM), jnp.float32),
        pltpu.VMEM((CHUNK, EMBED_DIM), jnp.float32),
        pltpu.SemaphoreType.DMA,
        pltpu.SemaphoreType.DMA,
    ],
)
def _sc_gather(idx_hbm, table_hbm, out_hbm, idx_v, buf0, buf1, sem0, sem1):
    wid = lax.axis_index("s") * NUM_CORES + lax.axis_index("c")
    base = wid * PER_WORKER
    half = NUM_CHUNKS // 2
    pltpu.sync_copy(idx_hbm.at[wid, pl.ds(0, half)], idx_v.at[pl.ds(0, half)])
    bufs = (buf0, buf1)
    sems = (sem0, sem1)
    prev = pltpu.async_copy(table_hbm.at[idx_v.at[0]], bufs[0], sems[0])
    pltpu.sync_copy(
        idx_hbm.at[wid, pl.ds(half, NUM_CHUNKS - half)],
        idx_v.at[pl.ds(half, NUM_CHUNKS - half)],
    )
    for j in range(NUM_CHUNKS):
        if j + 1 < NUM_CHUNKS:
            nxt = pltpu.async_copy(
                table_hbm.at[idx_v.at[j + 1]], bufs[(j + 1) % 2], sems[(j + 1) % 2]
            )
        prev.wait()
        pltpu.sync_copy(bufs[j % 2], out_hbm.at[pl.ds(base + j * CHUNK, CHUNK)])
        if j + 1 < NUM_CHUNKS:
            prev = nxt


def kernel(inputs, table):
    idx = inputs.astype(jnp.int32).reshape(NUM_WORKERS, NUM_CHUNKS, CHUNK)
    out = _sc_gather(idx, table)
    return out.reshape(BATCH, SEQ_LEN, EMBED_DIM)

# --- scband reference (transcript-rebuilt; emitter-appended) ---
"""Pipeline reference for scband-position-embedding-32744830665296 (READ-ONLY COPY).

The authoritative reference and input builder live on the scoring server;
editing this copy changes nothing except your own understanding.
"""

import jax, jax.numpy as jnp
import numpy as np

N_POSITION = 8192
EMBED_DIM = 768
BATCH = 4
SEQ_LEN = 8192


def _sinusoid_table(n_position, embed_dim, padding_idx=0):
    # Faithful reproduction of _get_sinusoid_encoding_table
    pos = np.arange(n_position, dtype=np.float64)[:, None]            # [P, 1]
    hid = np.arange(embed_dim, dtype=np.float64)[None, :]             # [1, D]
    angle = pos / np.power(10000.0, 2.0 * (np.floor(hid / 2.0)) / embed_dim)
    table = angle.copy()
    table[:, 0::2] = np.sin(angle[:, 0::2])
    table[:, 1::2] = np.cos(angle[:, 1::2])
    if padding_idx is not None:
        table[padding_idx] = 0.0
    return jnp.asarray(table, dtype=jnp.float32)


def setup_inputs(seed: int = 0) -> dict:
    key = jax.random.key(seed)
    k1, _ = jax.random.split(key)
    inputs = jax.random.randint(k1, (BATCH, SEQ_LEN), 0, N_POSITION, dtype=jnp.int64 if jax.config.jax_enable_x64 else jnp.int32)
    table = _sinusoid_table(N_POSITION, EMBED_DIM, padding_idx=0)
    return {"inputs": inputs, "table": table}


def reference(inputs, table):
    # PositionEmbedding.forward -> WordEmbedding.forward -> nn.Embedding lookup
    return jnp.take(table, inputs, axis=0)

if __name__ == "__main__":
    import jax
    _d = setup_inputs()
    print(jax.jit(kernel)(*tuple(_d.values())))

</pallas_src>

<mosaic_0001>
#map = affine_map<(d0, d1) -> (0, 0, 0)>
#map1 = affine_map<(d0, d1) -> (0, 0)>
module attributes {stable_mosaic.version = 14 : i64} {
  func.func @_sc_gather(%arg0: i32, %arg1: i32, %arg2: memref<32x16x64xi32, #tpu.memory_space<hbm>>, %arg3: memref<8192x768xf32, #tpu.memory_space<hbm>>, %arg4: memref<32768x768xf32, #tpu.memory_space<hbm>>, %arg5: memref<16x64xi32, #tpu.memory_space<vmem>>, %arg6: memref<64x768xf32, #tpu.memory_space<vmem>>, %arg7: memref<64x768xf32, #tpu.memory_space<vmem>>, %arg8: memref<!tpu.dma_semaphore, #tpu.memory_space<semaphore_mem>>, %arg9: memref<!tpu.dma_semaphore, #tpu.memory_space<semaphore_mem>>) attributes {dimension_semantics = [#tpu.dimension_semantics<core_parallel>, #tpu.dimension_semantics<subcore_parallel>], iteration_bounds = array<i64: 2, 16>, scalar_prefetch = 0 : i64, scratch_operands = 5 : i64, tpu.core_type = #tpu.core_type<sc_vector_subcore>, window_params = [{transform_indices = #map}, {transform_indices = #map1}, {transform_indices = #map1}]} {
    %mul3A = arith.constant 2 : i32
    %mul3A_0 = arith.muli %arg1, %mul3A : i32
    %add3A = arith.addi %mul3A_0, %arg0 : i32
    %mul3A_1 = arith.constant 1024 : i32
    %mul3A_2 = arith.muli %add3A, %mul3A_1 : i32
    "tpu.region"() ({
      %run_scoped3A = tpu.sem_alloc : memref<!tpu.dma_semaphore, #tpu.memory_space<semaphore_mem>>
      %dma_start3A_257 = arith.constant 0 : i32
      %dma_start3A_258 = arith.constant 0 : i32
      %dma_start3A_259 = tpu.memref_slice %arg5[%dma_start3A_257, %dma_start3A_258] : memref<16x64xi32, #tpu.memory_space<vmem>> -> memref<8x64xi32, #tpu.memory_space<vmem>>
      %dma_start3A_260 = arith.constant 0 : i32
      %dma_start3A_261 = arith.constant 0 : i32
      %dma_start3A_262 = tpu.memref_slice %arg2[%add3A, %dma_start3A_260, %dma_start3A_261] : memref<32x16x64xi32, #tpu.memory_space<hbm>> -> memref<1x8x64xi32, #tpu.memory_space<hbm>>
      %dma_start3A_263 = tpu.memref_squeeze %dma_start3A_262 : memref<1x8x64xi32, #tpu.memory_space<hbm>> -> memref<8x64xi32, #tpu.memory_space<hbm>>
      %dma_start3A_264 = arith.constant 0 : i32
      %dma_start3A_265 = arith.constant 0 : i32
      %dma_start3A_266 = tpu.memref_slice %arg5[%dma_start3A_264, %dma_start3A_265] : memref<16x64xi32, #tpu.memory_space<vmem>> -> memref<8x64xi32, #tpu.memory_space<vmem>>
      %dma_start3A_267 = arith.constant 0 : i32
      %dma_start3A_268 = arith.constant 0 : i32
      %dma_start3A_269 = tpu.memref_slice %arg2[%add3A, %dma_start3A_267, %dma_start3A_268] : memref<32x16x64xi32, #tpu.memory_space<hbm>> -> memref<1x8x64xi32, #tpu.memory_space<hbm>>
      %dma_start3A_270 = tpu.memref_squeeze %dma_start3A_269 : memref<1x8x64xi32, #tpu.memory_space<hbm>> -> memref<8x64xi32, #tpu.memory_space<hbm>>
      tpu.enqueue_dma source(%dma_start3A_270 : memref<8x64xi32, #tpu.memory_space<hbm>>) target(%dma_start3A_266 : memref<8x64xi32, #tpu.memory_space<vmem>>) target_semaphore(%run_scoped3A : memref<!tpu.dma_semaphore, #tpu.memory_space<semaphore_mem>>)
      %dma_wait3A_271 = arith.constant 0 : i32
      %dma_wait3A_272 = arith.constant 0 : i32
      %dma_wait3A_273 = tpu.memref_slice %arg5[%dma_wait3A_271, %dma_wait3A_272] : memref<16x64xi32, #tpu.memory_space<vmem>> -> memref<8x64xi32, #tpu.memory_space<vmem>>
      %dma_wait3A_274 = arith.constant 0 : i32
      %dma_wait3A_275 = arith.constant 0 : i32
      %dma_wait3A_276 = tpu.memref_slice %arg2[%add3A, %dma_wait3A_274, %dma_wait3A_275] : memref<32x16x64xi32, #tpu.memory_space<hbm>> -> memref<1x8x64xi32, #tpu.memory_space<hbm>>
      %dma_wait3A_277 = tpu.memref_squeeze %dma_wait3A_276 : memref<1x8x64xi32, #tpu.memory_space<hbm>> -> memref<8x64xi32, #tpu.memory_space<hbm>>
      %dma_wait3A_278 = arith.constant 0 : i32
      %dma_wait3A_279 = arith.constant 0 : i32
      %dma_wait3A_280 = tpu.memref_slice %arg5[%dma_wait3A_278, %dma_wait3A_279] : memref<16x64xi32, #tpu.memory_space<vmem>> -> memref<8x64xi32, #tpu.memory_space<vmem>>
      %dma_wait3A_281 = arith.constant 0 : i32
      %dma_wait3A_282 = arith.constant 0 : i32
      %dma_wait3A_283 = tpu.memref_slice %arg2[%add3A, %dma_wait3A_281, %dma_wait3A_282] : memref<32x16x64xi32, #tpu.memory_space<hbm>> -> memref<1x8x64xi32, #tpu.memory_space<hbm>>
      %dma_wait3A_284 = tpu.memref_squeeze %dma_wait3A_283 : memref<1x8x64xi32, #tpu.memory_space<hbm>> -> memref<8x64xi32, #tpu.memory_space<hbm>>
      tpu.wait_dma2 semaphore(%run_scoped3A : memref<!tpu.dma_semaphore, #tpu.memory_space<semaphore_mem>>) src(%dma_wait3A_284 : memref<8x64xi32, #tpu.memory_space<hbm>>) dst(%dma_wait3A_280 : memref<8x64xi32, #tpu.memory_space<vmem>>)
      tpu.yield
    }) : () -> ()
    %dma_start3A = arith.constant 0 : i32
    %dma_start3A_3 = arith.constant 0 : i32
    %dma_start3A_4 = tpu.memref_slice %arg5[%dma_start3A, %dma_start3A_3] : memref<16x64xi32, #tpu.memory_space<vmem>> -> memref<1x64xi32, #tpu.memory_space<vmem>>
    %dma_start3A_5 = tpu.memref_squeeze %dma_start3A_4 : memref<1x64xi32, #tpu.memory_space<vmem>> -> memref<64xi32, #tpu.memory_space<vmem>>
    %dma_start3A_6 = arith.constant 0 : i32
    %dma_start3A_7 = arith.constant 0 : i32
    %dma_start3A_8 = tpu.memref_slice %arg3[%dma_start3A_6, %dma_start3A_7] : memref<8192x768xf32, #tpu.memory_space<hbm>> -> memref<8192x768xf32, #tpu.memory_space<hbm>>
    tpu.enqueue_indirect_dma source(%dma_start3A_8 : memref<8192x768xf32, #tpu.memory_space<hbm>>) target(%arg6 : memref<64x768xf32, #tpu.memory_space<vmem>>) offsets(%dma_start3A_5 : memref<64xi32, #tpu.memory_space<vmem>>) semaphore(%arg8 : memref<!tpu.dma_semaphore, #tpu.memory_space<semaphore_mem>>)
    "tpu.region"() ({
      %run_scoped3A = tpu.sem_alloc : memref<!tpu.dma_semaphore, #tpu.memory_space<semaphore_mem>>
      %dma_start3A_257 = arith.constant 8 : i32
      %dma_start3A_258 = arith.constant 0 : i32
      %dma_start3A_259 = tpu.memref_slice %arg5[%dma_start3A_257, %dma_start3A_258] : memref<16x64xi32, #tpu.memory_space<vmem>> -> memref<8x64xi32, #tpu.memory_space<vmem>>
      %dma_start3A_260 = arith.constant 8 : i32
      %dma_start3A_261 = arith.constant 0 : i32
      %dma_start3A_262 = tpu.memref_slice %arg2[%add3A, %dma_start3A_260, %dma_start3A_261] : memref<32x16x64xi32, #tpu.memory_space<hbm>> -> memref<1x8x64xi32, #tpu.memory_space<hbm>>
      %dma_start3A_263 = tpu.memref_squeeze %dma_start3A_262 : memref<1x8x64xi32, #tpu.memory_space<hbm>> -> memref<8x64xi32, #tpu.memory_space<hbm>>
      %dma_start3A_264 = arith.constant 8 : i32
      %dma_start3A_265 = arith.constant 0 : i32
      %dma_start3A_266 = tpu.memref_slice %arg5[%dma_start3A_264, %dma_start3A_265] : memref<16x64xi32, #tpu.memory_space<vmem>> -> memref<8x64xi32, #tpu.memory_space<vmem>>
      %dma_start3A_267 = arith.constant 8 : i32
      %dma_start3A_268 = arith.constant 0 : i32
      %dma_start3A_269 = tpu.memref_slice %arg2[%add3A, %dma_start3A_267, %dma_start3A_268] : memref<32x16x64xi32, #tpu.memory_space<hbm>> -> memref<1x8x64xi32, #tpu.memory_space<hbm>>
      %dma_start3A_270 = tpu.memref_squeeze %dma_start3A_269 : memref<1x8x64xi32, #tpu.memory_space<hbm>> -> memref<8x64xi32, #tpu.memory_space<hbm>>
      tpu.enqueue_dma source(%dma_start3A_270 : memref<8x64xi32, #tpu.memory_space<hbm>>) target(%dma_start3A_266 : memref<8x64xi32, #tpu.memory_space<vmem>>) target_semaphore(%run_scoped3A : memref<!tpu.dma_semaphore, #tpu.memory_space<semaphore_mem>>)
      %dma_wait3A_271 = arith.constant 8 : i32
      %dma_wait3A_272 = arith.constant 0 : i32
      %dma_wait3A_273 = tpu.memref_slice %arg5[%dma_wait3A_271, %dma_wait3A_272] : memref<16x64xi32, #tpu.memory_space<vmem>> -> memref<8x64xi32, #tpu.memory_space<vmem>>
      %dma_wait3A_274 = arith.constant 8 : i32
      %dma_wait3A_275 = arith.constant 0 : i32
      %dma_wait3A_276 = tpu.memref_slice %arg2[%add3A, %dma_wait3A_274, %dma_wait3A_275] : memref<32x16x64xi32, #tpu.memory_space<hbm>> -> memref<1x8x64xi32, #tpu.memory_space<hbm>>
      %dma_wait3A_277 = tpu.memref_squeeze %dma_wait3A_276 : memref<1x8x64xi32, #tpu.memory_space<hbm>> -> memref<8x64xi32, #tpu.memory_space<hbm>>
      %dma_wait3A_278 = arith.constant 8 : i32
      %dma_wait3A_279 = arith.constant 0 : i32
      %dma_wait3A_280 = tpu.memref_slice %arg5[%dma_wait3A_278, %dma_wait3A_279] : memref<16x64xi32, #tpu.memory_space<vmem>> -> memref<8x64xi32, #tpu.memory_space<vmem>>
      %dma_wait3A_281 = arith.constant 8 : i32
      %dma_wait3A_282 = arith.constant 0 : i32
      %dma_wait3A_283 = tpu.memref_slice %arg2[%add3A, %dma_wait3A_281, %dma_wait3A_282] : memref<32x16x64xi32, #tpu.memory_space<hbm>> -> memref<1x8x64xi32, #tpu.memory_space<hbm>>
      %dma_wait3A_284 = tpu.memref_squeeze %dma_wait3A_283 : memref<1x8x64xi32, #tpu.memory_space<hbm>> -> memref<8x64xi32, #tpu.memory_space<hbm>>
      tpu.wait_dma2 semaphore(%run_scoped3A : memref<!tpu.dma_semaphore, #tpu.memory_space<semaphore_mem>>) src(%dma_wait3A_284 : memref<8x64xi32, #tpu.memory_space<hbm>>) dst(%dma_wait3A_280 : memref<8x64xi32, #tpu.memory_space<vmem>>)
      tpu.yield
    }) : () -> ()
    %dma_start3A_9 = arith.constant 1 : i32
    %dma_start3A_10 = arith.constant 0 : i32
    %dma_start3A_11 = tpu.memref_slice %arg5[%dma_start3A_9, %dma_start3A_10] : memref<16x64xi32, #tpu.memory_space<vmem>> -> memref<1x64xi32, #tpu.memory_space<vmem>>
    %dma_start3A_12 = tpu.memref_squeeze %dma_start3A_11 : memref<1x64xi32, #tpu.memory_space<vmem>> -> memref<64xi32, #tpu.memory_space<vmem>>
    %dma_start3A_13 = arith.constant 0 : i32
    %dma_start3A_14 = arith.constant 0 : i32
    %dma_start3A_15 = tpu.memref_slice %arg3[%dma_start3A_13, %dma_start3A_14] : memref<8192x768xf32, #tpu.memory_space<hbm>> -> memref<8192x768xf32, #tpu.memory_space<hbm>>
    tpu.enqueue_indirect_dma source(%dma_start3A_15 : memref<8192x768xf32, #tpu.memory_space<hbm>>) target(%arg7 : memref<64x768xf32, #tpu.memory_space<vmem>>) offsets(%dma_start3A_12 : memref<64xi32, #tpu.memory_space<vmem>>) semaphore(%arg9 : memref<!tpu.dma_semaphore, #tpu.memory_space<semaphore_mem>>)
    %dma_wait3A = arith.constant 0 : i32
    %dma_wait3A_16 = arith.constant 0 : i32
    %dma_wait3A_17 = tpu.memref_slice %arg5[%dma_wait3A, %dma_wait3A_16] : memref<16x64xi32, #tpu.memory_space<vmem>> -> memref<1x64xi32, #tpu.memory_space<vmem>>
    %dma_wait3A_18 = tpu.memref_squeeze %dma_wait3A_17 : memref<1x64xi32, #tpu.memory_space<vmem>> -> memref<64xi32, #tpu.memory_space<vmem>>
    %dma_wait3A_19 = arith.constant 0 : i32
    %dma_wait3A_20 = arith.constant 0 : i32
    %dma_wait3A_21 = tpu.memref_slice %arg3[%dma_wait3A_19, %dma_wait3A_20] : memref<8192x768xf32, #tpu.memory_space<hbm>> -> memref<8192x768xf32, #tpu.memory_space<hbm>>
    tpu.wait_indirect_dma semaphore(%arg8 : memref<!tpu.dma_semaphore, #tpu.memory_space<semaphore_mem>>) src(%dma_wait3A_21 : memref<8192x768xf32, #tpu.memory_space<hbm>>) dst(%arg6 : memref<64x768xf32, #tpu.memory_space<vmem>>)
    %add3A_22 = arith.constant 0 : i32
    %add3A_23 = arith.addi %mul3A_2, %add3A_22 : i32
    "tpu.region"() ({
      %run_scoped3A = tpu.sem_alloc : memref<!tpu.dma_semaphore, #tpu.memory_space<semaphore_mem>>
      %dma_start3A_257 = arith.constant 0 : i32
      %dma_start3A_258 = tpu.memref_slice %arg4[%add3A_23, %dma_start3A_257] : memref<32768x768xf32, #tpu.memory_space<hbm>> -> memref<64x768xf32, #tpu.memory_space<hbm>>
      %dma_start3A_259 = arith.constant 0 : i32
      %dma_start3A_260 = tpu.memref_slice %arg4[%add3A_23, %dma_start3A_259] : memref<32768x768xf32, #tpu.memory_space<hbm>> -> memref<64x768xf32, #tpu.memory_space<hbm>>
      tpu.enqueue_dma source(%arg6 : memref<64x768xf32, #tpu.memory_space<vmem>>) target(%dma_start3A_260 : memref<64x768xf32, #tpu.memory_space<hbm>>) target_semaphore(%run_scoped3A : memref<!tpu.dma_semaphore, #tpu.memory_space<semaphore_mem>>)
      %dma_wait3A_261 = arith.constant 0 : i32
      %dma_wait3A_262 = tpu.memref_slice %arg4[%add3A_23, %dma_wait3A_261] : memref<32768x768xf32, #tpu.memory_space<hbm>> -> memref<64x768xf32, #tpu.memory_space<hbm>>
      %dma_wait3A_263 = arith.constant 0 : i32
      %dma_wait3A_264 = tpu.memref_slice %arg4[%add3A_23, %dma_wait3A_263] : memref<32768x768xf32, #tpu.memory_space<hbm>> -> memref<64x768xf32, #tpu.memory_space<hbm>>
      tpu.wait_dma2 semaphore(%run_scoped3A : memref<!tpu.dma_semaphore, #tpu.memory_space<semaphore_mem>>) src(%arg6 : memref<64x768xf32, #tpu.memory_space<vmem>>) dst(%dma_wait3A_264 : memref<64x768xf32, #tpu.memory_space<hbm>>)
      tpu.yield
    }) : () -> ()
    %dma_start3A_24 = arith.constant 2 : i32
    %dma_start3A_25 = arith.constant 0 : i32
    %dma_start3A_26 = tpu.memref_slice %arg5[%dma_start3A_24, %dma_start3A_25] : memref<16x64xi32, #tpu.memory_space<vmem>> -> memref<1x64xi32, #tpu.memory_space<vmem>>
    %dma_start3A_27 = tpu.memref_squeeze %dma_start3A_26 : memref<1x64xi32, #tpu.memory_space<vmem>> -> memref<64xi32, #tpu.memory_space<vmem>>
    %dma_start3A_28 = arith.constant 0 : i32
    %dma_start3A_29 = arith.constant 0 : i32
    %dma_start3A_30 = tpu.memref_slice %arg3[%dma_start3A_28, %dma_start3A_29] : memref<8192x768xf32, #tpu.memory_space<hbm>> -> memref<8192x768xf32, #tpu.memory_space<hbm>>
    tpu.enqueue_indirect_dma source(%dma_start3A_30 : memref<8192x768xf32, #tpu.memory_space<hbm>>) target(%arg6 : memref<64x768xf32, #tpu.memory_space<vmem>>) offsets(%dma_start3A_27 : memref<64xi32, #tpu.memory_space<vmem>>) semaphore(%arg8 : memref<!tpu.dma_semaphore, #tpu.memory_space<semaphore_mem>>)
    %dma_wait3A_31 = arith.constant 1 : i32
    %dma_wait3A_32 = arith.constant 0 : i32
    %dma_wait3A_33 = tpu.memref_slice %arg5[%dma_wait3A_31, %dma_wait3A_32] : memref<16x64xi32, #tpu.memory_space<vmem>> -> memref<1x64xi32, #tpu.memory_space<vmem>>
    %dma_wait3A_34 = tpu.memref_squeeze %dma_wait3A_33 : memref<1x64xi32, #tpu.memory_space<vmem>> -> memref<64xi32, #tpu.memory_space<vmem>>
    %dma_wait3A_35 = arith.constant 0 : i32
    %dma_wait3A_36 = arith.constant 0 : i32
    %dma_wait3A_37 = tpu.memref_slice %arg3[%dma_wait3A_35, %dma_wait3A_36] : memref<8192x768xf32, #tpu.memory_space<hbm>> -> memref<8192x768xf32, #tpu.memory_space<hbm>>
    tpu.wait_indirect_dma semaphore(%arg9 : memref<!tpu.dma_semaphore, #tpu.memory_space<semaphore_mem>>) src(%dma_wait3A_37 : memref<8192x768xf32, #tpu.memory_space<hbm>>) dst(%arg7 : memref<64x768xf32, #tpu.memory_space<vmem>>)
    %add3A_38 = arith.constant 64 : i32
    %add3A_39 = arith.addi %mul3A_2, %add3A_38 : i32
    "tpu.region"() ({
      %run_scoped3A = tpu.sem_alloc : memref<!tpu.dma_semaphore, #tpu.memory_space<semaphore_mem>>
      %dma_start3A_257 = arith.constant 0 : i32
      %dma_start3A_258 = tpu.memref_slice %arg4[%add3A_39, %dma_start3A_257] : memref<32768x768xf32, #tpu.memory_space<hbm>> -> memref<64x768xf32, #tpu.memory_space<hbm>>
      %dma_start3A_259 = arith.constant 0 : i32
      %dma_start3A_260 = tpu.memref_slice %arg4[%add3A_39, %dma_start3A_259] : memref<32768x768xf32, #tpu.memory_space<hbm>> -> memref<64x768xf32, #tpu.memory_space<hbm>>
      tpu.enqueue_dma source(%arg7 : memref<64x768xf32, #tpu.memory_space<vmem>>) target(%dma_start3A_260 : memref<64x768xf32, #tpu.memory_space<hbm>>) target_semaphore(%run_scoped3A : memref<!tpu.dma_semaphore, #tpu.memory_space<semaphore_mem>>)
      %dma_wait3A_261 = arith.constant 0 : i32
      %dma_wait3A_262 = tpu.memref_slice %arg4[%add3A_39, %dma_wait3A_261] : memref<32768x768xf32, #tpu.memory_space<hbm>> -> memref<64x768xf32, #tpu.memory_space<hbm>>
      %dma_wait3A_263 = arith.constant 0 : i32
      %dma_wait3A_264 = tpu.memref_slice %arg4[%add3A_39, %dma_wait3A_263] : memref<32768x768xf32, #tpu.memory_space<hbm>> -> memref<64x768xf32, #tpu.memory_space<hbm>>
      tpu.wait_dma2 semaphore(%run_scoped3A : memref<!tpu.dma_semaphore, #tpu.memory_space<semaphore_mem>>) src(%arg7 : memref<64x768xf32, #tpu.memory_space<vmem>>) dst(%dma_wait3A_264 : memref<64x768xf32, #tpu.memory_space<hbm>>)
      tpu.yield
    }) : () -> ()
    %dma_start3A_40 = arith.constant 3 : i32
    %dma_start3A_41 = arith.constant 0 : i32
    %dma_start3A_42 = tpu.memref_slice %arg5[%dma_start3A_40, %dma_start3A_41] : memref<16x64xi32, #tpu.memory_space<vmem>> -> memref<1x64xi32, #tpu.memory_space<vmem>>
    %dma_start3A_43 = tpu.memref_squeeze %dma_start3A_42 : memref<1x64xi32, #tpu.memory_space<vmem>> -> memref<64xi32, #tpu.memory_space<vmem>>
    %dma_start3A_44 = arith.constant 0 : i32
    %dma_start3A_45 = arith.constant 0 : i32
    %dma_start3A_46 = tpu.memref_slice %arg3[%dma_start3A_44, %dma_start3A_45] : memref<8192x768xf32, #tpu.memory_space<hbm>> -> memref<8192x768xf32, #tpu.memory_space<hbm>>
    tpu.enqueue_indirect_dma source(%dma_start3A_46 : memref<8192x768xf32, #tpu.memory_space<hbm>>) target(%arg7 : memref<64x768xf32, #tpu.memory_space<vmem>>) offsets(%dma_start3A_43 : memref<64xi32, #tpu.memory_space<vmem>>) semaphore(%arg9 : memref<!tpu.dma_semaphore, #tpu.memory_space<semaphore_mem>>)
    %dma_wait3A_47 = arith.constant 2 : i32
    %dma_wait3A_48 = arith.constant 0 : i32
    %dma_wait3A_49 = tpu.memref_slice %arg5[%dma_wait3A_47, %dma_wait3A_48] : memref<16x64xi32, #tpu.memory_space<vmem>> -> memref<1x64xi32, #tpu.memory_space<vmem>>
    %dma_wait3A_50 = tpu.memref_squeeze %dma_wait3A_49 : memref<1x64xi32, #tpu.memory_space<vmem>> -> memref<64xi32, #tpu.memory_space<vmem>>
    %dma_wait3A_51 = arith.constant 0 : i32
    %dma_wait3A_52 = arith.constant 0 : i32
    %dma_wait3A_53 = tpu.memref_slice %arg3[%dma_wait3A_51, %dma_wait3A_52] : memref<8192x768xf32, #tpu.memory_space<hbm>> -> memref<8192x768xf32, #tpu.memory_space<hbm>>
    tpu.wait_indirect_dma semaphore(%arg8 : memref<!tpu.dma_semaphore, #tpu.memory_space<semaphore_mem>>) src(%dma_wait3A_53 : memref<8192x768xf32, #tpu.memory_space<hbm>>) dst(%arg6 : memref<64x768xf32, #tpu.memory_space<vmem>>)
    %add3A_54 = arith.constant 128 : i32
    %add3A_55 = arith.addi %mul3A_2, %add3A_54 : i32
    "tpu.region"() ({
      %run_scoped3A = tpu.sem_alloc : memref<!tpu.dma_semaphore, #tpu.memory_space<semaphore_mem>>
      %dma_start3A_257 = arith.constant 0 : i32
      %dma_start3A_258 = tpu.memref_slice %arg4[%add3A_55, %dma_start3A_257] : memref<32768x768xf32, #tpu.memory_space<hbm>> -> memref<64x768xf32, #tpu.memory_space<hbm>>
      %dma_start3A_259 = arith.constant 0 : i32
      %dma_start3A_260 = tpu.memref_slice %arg4[%add3A_55, %dma_start3A_259] : memref<32768x768xf32, #tpu.memory_space<hbm>> -> memref<64x768xf32, #tpu.memory_space<hbm>>
      tpu.enqueue_dma source(%arg6 : memref<64x768xf32, #tpu.memory_space<vmem>>) target(%dma_start3A_260 : memref<64x768xf32, #tpu.memory_space<hbm>>) target_semaphore(%run_scoped3A : memref<!tpu.dma_semaphore, #tpu.memory_space<semaphore_mem>>)
      %dma_wait3A_261 = arith.constant 0 : i32
      %dma_wait3A_262 = tpu.memref_slice %arg4[%add3A_55, %dma_wait3A_261] : memref<32768x768xf32, #tpu.memory_space<hbm>> -> memref<64x768xf32, #tpu.memory_space<hbm>>
      %dma_wait3A_263 = arith.constant 0 : i32
      %dma_wait3A_264 = tpu.memref_slice %arg4[%add3A_55, %dma_wait3A_263] : memref<32768x768xf32, #tpu.memory_space<hbm>> -> memref<64x768xf32, #tpu.memory_space<hbm>>
      tpu.wait_dma2 semaphore(%run_scoped3A : memref<!tpu.dma_semaphore, #tpu.memory_space<semaphore_mem>>) src(%arg6 : memref<64x768xf32, #tpu.memory_space<vmem>>) dst(%dma_wait3A_264 : memref<64x768xf32, #tpu.memory_space<hbm>>)
      tpu.yield
    }) : () -> ()
    %dma_start3A_56 = arith.constant 4 : i32
    %dma_start3A_57 = arith.constant 0 : i32
    %dma_start3A_58 = tpu.memref_slice %arg5[%dma_start3A_56, %dma_start3A_57] : memref<16x64xi32, #tpu.memory_space<vmem>> -> memref<1x64xi32, #tpu.memory_space<vmem>>
    %dma_start3A_59 = tpu.memref_squeeze %dma_start3A_58 : memref<1x64xi32, #tpu.memory_space<vmem>> -> memref<64xi32, #tpu.memory_space<vmem>>
    %dma_start3A_60 = arith.constant 0 : i32
    %dma_start3A_61 = arith.constant 0 : i32
    %dma_start3A_62 = tpu.memref_slice %arg3[%dma_start3A_60, %dma_start3A_61] : memref<8192x768xf32, #tpu.memory_space<hbm>> -> memref<8192x768xf32, #tpu.memory_space<hbm>>
    tpu.enqueue_indirect_dma source(%dma_start3A_62 : memref<8192x768xf32, #tpu.memory_space<hbm>>) target(%arg6 : memref<64x768xf32, #tpu.memory_space<vmem>>) offsets(%dma_start3A_59 : memref<64xi32, #tpu.memory_space<vmem>>) semaphore(%arg8 : memref<!tpu.dma_semaphore, #tpu.memory_space<semaphore_mem>>)
    %dma_wait3A_63 = arith.constant 3 : i32
    %dma_wait3A_64 = arith.constant 0 : i32
    %dma_wait3A_65 = tpu.memref_slice %arg5[%dma_wait3A_63, %dma_wait3A_64] : memref<16x64xi32, #tpu.memory_space<vmem>> -> memref<1x64xi32, #tpu.memory_space<vmem>>
    %dma_wait3A_66 = tpu.memref_squeeze %dma_wait3A_65 : memref<1x64xi32, #tpu.memory_space<vmem>> -> memref<64xi32, #tpu.memory_space<vmem>>
    %dma_wait3A_67 = arith.constant 0 : i32
    %dma_wait3A_68 = arith.constant 0 : i32
    %dma_wait3A_69 = tpu.memref_slice %arg3[%dma_wait3A_67, %dma_wait3A_68] : memref<8192x768xf32, #tpu.memory_space<hbm>> -> memref<8192x768xf32, #tpu.memory_space<hbm>>
    tpu.wait_indirect_dma semaphore(%arg9 : memref<!tpu.dma_semaphore, #tpu.memory_space<semaphore_mem>>) src(%dma_wait3A_69 : memref<8192x768xf32, #tpu.memory_space<hbm>>) dst(%arg7 : memref<64x768xf32, #tpu.memory_space<vmem>>)
    %add3A_70 = arith.constant 192 : i32
    %add3A_71 = arith.addi %mul3A_2, %add3A_70 : i32
    "tpu.region"() ({
      %run_scoped3A = tpu.sem_alloc : memref<!tpu.dma_semaphore, #tpu.memory_space<semaphore_mem>>
      %dma_start3A_257 = arith.constant 0 : i32
      %dma_start3A_258 = tpu.memref_slice %arg4[%add3A_71, %dma_start3A_257] : memref<32768x768xf32, #tpu.memory_space<hbm>> -> memref<64x768xf32, #tpu.memory_space<hbm>>
      %dma_start3A_259 = arith.constant 0 : i32
      %dma_start3A_260 = tpu.memref_slice %arg4[%add3A_71, %dma_start3A_259] : memref<32768x768xf32, #tpu.memory_space<hbm>> -> memref<64x768xf32, #tpu.memory_space<hbm>>
      tpu.enqueue_dma source(%arg7 : memref<64x768xf32, #tpu.memory_space<vmem>>) target(%dma_start3A_260 : memref<64x768xf32, #tpu.memory_space<hbm>>) target_semaphore(%run_scoped3A : memref<!tpu.dma_semaphore, #tpu.memory_space<semaphore_mem>>)
      %dma_wait3A_261 = arith.constant 0 : i32
      %dma_wait3A_262 = tpu.memref_slice %arg4[%add3A_71, %dma_wait3A_261] : memref<32768x768xf32, #tpu.memory_space<hbm>> -> memref<64x768xf32, #tpu.memory_space<hbm>>
      %dma_wait3A_263 = arith.constant 0 : i32
      %dma_wait3A_264 = tpu.memref_slice %arg4[%add3A_71, %dma_wait3A_263] : memref<32768x768xf32, #tpu.memory_space<hbm>> -> memref<64x768xf32, #tpu.memory_space<hbm>>
      tpu.wait_dma2 semaphore(%run_scoped3A : memref<!tpu.dma_semaphore, #tpu.memory_space<semaphore_mem>>) src(%arg7 : memref<64x768xf32, #tpu.memory_space<vmem>>) dst(%dma_wait3A_264 : memref<64x768xf32, #tpu.memory_space<hbm>>)
      tpu.yield
    }) : () -> ()
    %dma_start3A_72 = arith.constant 5 : i32
    %dma_start3A_73 = arith.constant 0 : i32
    %dma_start3A_74 = tpu.memref_slice %arg5[%dma_start3A_72, %dma_start3A_73] : memref<16x64xi32, #tpu.memory_space<vmem>> -> memref<1x64xi32, #tpu.memory_space<vmem>>
    %dma_start3A_75 = tpu.memref_squeeze %dma_start3A_74 : memref<1x64xi32, #tpu.memory_space<vmem>> -> memref<64xi32, #tpu.memory_space<vmem>>
    %dma_start3A_76 = arith.constant 0 : i32
    %dma_start3A_77 = arith.constant 0 : i32
    %dma_start3A_78 = tpu.memref_slice %arg3[%dma_start3A_76, %dma_start3A_77] : memref<8192x768xf32, #tpu.memory_space<hbm>> -> memref<8192x768xf32, #tpu.memory_space<hbm>>
    tpu.enqueue_indirect_dma source(%dma_start3A_78 : memref<8192x768xf32, #tpu.memory_space<hbm>>) target(%arg7 : memref<64x768xf32, #tpu.memory_space<vmem>>) offsets(%dma_start3A_75 : memref<64xi32, #tpu.memory_space<vmem>>) semaphore(%arg9 : memref<!tpu.dma_semaphore, #tpu.memory_space<semaphore_mem>>)
    %dma_wait3A_79 = arith.constant 4 : i32
    %dma_wait3A_80 = arith.constant 0 : i32
    %dma_wait3A_81 = tpu.memref_slice %arg5[%dma_wait3A_79, %dma_wait3A_80] : memref<16x64xi32, #tpu.memory_space<vmem>> -> memref<1x64xi32, #tpu.memory_space<vmem>>
    %dma_wait3A_82 = tpu.memref_squeeze %dma_wait3A_81 : memref<1x64xi32, #tpu.memory_space<vmem>> -> memref<64xi32, #tpu.memory_space<vmem>>
    %dma_wait3A_83 = arith.constant 0 : i32
    %dma_wait3A_84 = arith.constant 0 : i32
    %dma_wait3A_85 = tpu.memref_slice %arg3[%dma_wait3A_83, %dma_wait3A_84] : memref<8192x768xf32, #tpu.memory_space<hbm>> -> memref<8192x768xf32, #tpu.memory_space<hbm>>
    tpu.wait_indirect_dma semaphore(%arg8 : memref<!tpu.dma_semaphore, #tpu.memory_space<semaphore_mem>>) src(%dma_wait3A_85 : memref<8192x768xf32, #tpu.memory_space<hbm>>) dst(%arg6 : memref<64x768xf32, #tpu.memory_space<vmem>>)
    %add3A_86 = arith.constant 256 : i32
    %add3A_87 = arith.addi %mul3A_2, %add3A_86 : i32
    "tpu.region"() ({
      %run_scoped3A = tpu.sem_alloc : memref<!tpu.dma_semaphore, #tpu.memory_space<semaphore_mem>>
      %dma_start3A_257 = arith.constant 0 : i32
      %dma_start3A_258 = tpu.memref_slice %arg4[%add3A_87, %dma_start3A_257] : memref<32768x768xf32, #tpu.memory_space<hbm>> -> memref<64x768xf32, #tpu.memory_space<hbm>>
      %dma_start3A_259 = arith.constant 0 : i32
      %dma_start3A_260 = tpu.memref_slice %arg4[%add3A_87, %dma_start3A_259] : memref<32768x768xf32, #tpu.memory_space<hbm>> -> memref<64x768xf32, #tpu.memory_space<hbm>>
      tpu.enqueue_dma source(%arg6 : memref<64x768xf32, #tpu.memory_space<vmem>>) target(%dma_start3A_260 : memref<64x768xf32, #tpu.memory_space<hbm>>) target_semaphore(%run_scoped3A : memref<!tpu.dma_semaphore, #tpu.memory_space<semaphore_mem>>)
      %dma_wait3A_261 = arith.constant 0 : i32
      %dma_wait3A_262 = tpu.memref_slice %arg4[%add3A_87, %dma_wait3A_261] : memref<32768x768xf32, #tpu.memory_space<hbm>> -> memref<64x768xf32, #tpu.memory_space<hbm>>
      %dma_wait3A_263 = arith.constant 0 : i32
      %dma_wait3A_264 = tpu.memref_slice %arg4[%add3A_87, %dma_wait3A_263] : memref<32768x768xf32, #tpu.memory_space<hbm>> -> memref<64x768xf32, #tpu.memory_space<hbm>>
      tpu.wait_dma2 semaphore(%run_scoped3A : memref<!tpu.dma_semaphore, #tpu.memory_space<semaphore_mem>>) src(%arg6 : memref<64x768xf32, #tpu.memory_space<vmem>>) dst(%dma_wait3A_264 : memref<64x768xf32, #tpu.memory_space<hbm>>)
      tpu.yield
    }) : () -> ()
    %dma_start3A_88 = arith.constant 6 : i32
    %dma_start3A_89 = arith.constant 0 : i32
    %dma_start3A_90 = tpu.memref_slice %arg5[%dma_start3A_88, %dma_start3A_89] : memref<16x64xi32, #tpu.memory_space<vmem>> -> memref<1x64xi32, #tpu.memory_space<vmem>>
    %dma_start3A_91 = tpu.memref_squeeze %dma_start3A_90 : memref<1x64xi32, #tpu.memory_space<vmem>> -> memref<64xi32, #tpu.memory_space<vmem>>
    %dma_start3A_92 = arith.constant 0 : i32
    %dma_start3A_93 = arith.constant 0 : i32
    %dma_start3A_94 = tpu.memref_slice %arg3[%dma_start3A_92, %dma_start3A_93] : memref<8192x768xf32, #tpu.memory_space<hbm>> -> memref<8192x768xf32, #tpu.memory_space<hbm>>
    tpu.enqueue_indirect_dma source(%dma_start3A_94 : memref<8192x768xf32, #tpu.memory_space<hbm>>) target(%arg6 : memref<64x768xf32, #tpu.memory_space<vmem>>) offsets(%dma_start3A_91 : memref<64xi32, #tpu.memory_space<vmem>>) semaphore(%arg8 : memref<!tpu.dma_semaphore, #tpu.memory_space<semaphore_mem>>)
    %dma_wait3A_95 = arith.constant 5 : i32
    %dma_wait3A_96 = arith.constant 0 : i32
    %dma_wait3A_97 = tpu.memref_slice %arg5[%dma_wait3A_95, %dma_wait3A_96] : memref<16x64xi32, #tpu.memory_space<vmem>> -> memref<1x64xi32, #tpu.memory_space<vmem>>
    %dma_wait3A_98 = tpu.memref_squeeze %dma_wait3A_97 : memref<1x64xi32, #tpu.memory_space<vmem>> -> memref<64xi32, #tpu.memory_space<vmem>>
    %dma_wait3A_99 = arith.constant 0 : i32
    %dma_wait3A_100 = arith.constant 0 : i32
    %dma_wait3A_101 = tpu.memref_slice %arg3[%dma_wait3A_99, %dma_wait3A_100] : memref<8192x768xf32, #tpu.memory_space<hbm>> -> memref<8192x768xf32, #tpu.memory_space<hbm>>
    tpu.wait_indirect_dma semaphore(%arg9 : memref<!tpu.dma_semaphore, #tpu.memory_space<semaphore_mem>>) src(%dma_wait3A_101 : memref<8192x768xf32, #tpu.memory_space<hbm>>) dst(%arg7 : memref<64x768xf32, #tpu.memory_space<vmem>>)
    %add3A_102 = arith.constant 320 : i32
    %add3A_103 = arith.addi %mul3A_2, %add3A_102 : i32
    "tpu.region"() ({
      %run_scoped3A = tpu.sem_alloc : memref<!tpu.dma_semaphore, #tpu.memory_space<semaphore_mem>>
      %dma_start3A_257 = arith.constant 0 : i32
      %dma_start3A_258 = tpu.memref_slice %arg4[%add3A_103, %dma_start3A_257] : memref<32768x768xf32, #tpu.memory_space<hbm>> -> memref<64x768xf32, #tpu.memory_space<hbm>>
      %dma_start3A_259 = arith.constant 0 : i32
      %dma_start3A_260 = tpu.memref_slice %arg4[%add3A_103, %dma_start3A_259] : memref<32768x768xf32, #tpu.memory_space<hbm>> -> memref<64x768xf32, #tpu.memory_space<hbm>>
      tpu.enqueue_dma source(%arg7 : memref<64x768xf32, #tpu.memory_space<vmem>>) target(%dma_start3A_260 : memref<64x768xf32, #tpu.memory_space<hbm>>) target_semaphore(%run_scoped3A : memref<!tpu.dma_semaphore, #tpu.memory_space<semaphore_mem>>)
      %dma_wait3A_261 = arith.constant 0 : i32
      %dma_wait3A_262 = tpu.memref_slice %arg4[%add3A_103, %dma_wait3A_261] : memref<32768x768xf32, #tpu.memory_space<hbm>> -> memref<64x768xf32, #tpu.memory_space<hbm>>
      %dma_wait3A_263 = arith.constant 0 : i32
      %dma_wait3A_264 = tpu.memref_slice %arg4[%add3A_103, %dma_wait3A_263] : memref<32768x768xf32, #tpu.memory_space<hbm>> -> memref<64x768xf32, #tpu.memory_space<hbm>>
      tpu.wait_dma2 semaphore(%run_scoped3A : memref<!tpu.dma_semaphore, #tpu.memory_space<semaphore_mem>>) src(%arg7 : memref<64x768xf32, #tpu.memory_space<vmem>>) dst(%dma_wait3A_264 : memref<64x768xf32, #tpu.memory_space<hbm>>)
      tpu.yield
    }) : () -> ()
    %dma_start3A_104 = arith.constant 7 : i32
    %dma_start3A_105 = arith.constant 0 : i32
    %dma_start3A_106 = tpu.memref_slice %arg5[%dma_start3A_104, %dma_start3A_105] : memref<16x64xi32, #tpu.memory_space<vmem>> -> memref<1x64xi32, #tpu.memory_space<vmem>>
    %dma_start3A_107 = tpu.memref_squeeze %dma_start3A_106 : memref<1x64xi32, #tpu.memory_space<vmem>> -> memref<64xi32, #tpu.memory_space<vmem>>
    %dma_start3A_108 = arith.constant 0 : i32
    %dma_start3A_109 = arith.constant 0 : i32
    %dma_start3A_110 = tpu.memref_slice %arg3[%dma_start3A_108, %dma_start3A_109] : memref<8192x768xf32, #tpu.memory_space<hbm>> -> memref<8192x768xf32, #tpu.memory_space<hbm>>
    tpu.enqueue_indirect_dma source(%dma_start3A_110 : memref<8192x768xf32, #tpu.memory_space<hbm>>) target(%arg7 : memref<64x768xf32, #tpu.memory_space<vmem>>) offsets(%dma_start3A_107 : memref<64xi32, #tpu.memory_space<vmem>>) semaphore(%arg9 : memref<!tpu.dma_semaphore, #tpu.memory_space<semaphore_mem>>)
    %dma_wait3A_111 = arith.constant 6 : i32
    %dma_wait3A_112 = arith.constant 0 : i32
    %dma_wait3A_113 = tpu.memref_slice %arg5[%dma_wait3A_111, %dma_wait3A_112] : memref<16x64xi32, #tpu.memory_space<vmem>> -> memref<1x64xi32, #tpu.memory_space<vmem>>
    %dma_wait3A_114 = tpu.memref_squeeze %dma_wait3A_113 : memref<1x64xi32, #tpu.memory_space<vmem>> -> memref<64xi32, #tpu.memory_space<vmem>>
    %dma_wait3A_115 = arith.constant 0 : i32
    %dma_wait3A_116 = arith.constant 0 : i32
    %dma_wait3A_117 = tpu.memref_slice %arg3[%dma_wait3A_115, %dma_wait3A_116] : memref<8192x768xf32, #tpu.memory_space<hbm>> -> memref<8192x768xf32, #tpu.memory_space<hbm>>
    tpu.wait_indirect_dma semaphore(%arg8 : memref<!tpu.dma_semaphore, #tpu.memory_space<semaphore_mem>>) src(%dma_wait3A_117 : memref<8192x768xf32, #tpu.memory_space<hbm>>) dst(%arg6 : memref<64x768xf32, #tpu.memory_space<vmem>>)
    %add3A_118 = arith.constant 384 : i32
    %add3A_119 = arith.addi %mul3A_2, %add3A_118 : i32
    "tpu.region"() ({
      %run_scoped3A = tpu.sem_alloc : memref<!tpu.dma_semaphore, #tpu.memory_space<semaphore_mem>>
      %dma_start3A_257 = arith.constant 0 : i32
      %dma_start3A_258 = tpu.memref_slice %arg4[%add3A_119, %dma_start3A_257] : memref<32768x768xf32, #tpu.memory_space<hbm>> -> memref<64x768xf32, #tpu.memory_space<hbm>>
      %dma_start3A_259 = arith.constant 0 : i32
      %dma_start3A_260 = tpu.memref_slice %arg4[%add3A_119, %dma_start3A_259] : memref<32768x768xf32, #tpu.memory_space<hbm>> -> memref<64x768xf32, #tpu.memory_space<hbm>>
      tpu.enqueue_dma source(%arg6 : memref<64x768xf32, #tpu.memory_space<vmem>>) target(%dma_start3A_260 : memref<64x768xf32, #tpu.memory_space<hbm>>) target_semaphore(%run_scoped3A : memref<!tpu.dma_semaphore, #tpu.memory_space<semaphore_mem>>)
      %dma_wait3A_261 = arith.constant 0 : i32
      %dma_wait3A_262 = tpu.memref_slice %arg4[%add3A_119, %dma_wait3A_261] : memref<32768x768xf32, #tpu.memory_space<hbm>> -> memref<64x768xf32, #tpu.memory_space<hbm>>
      %dma_wait3A_263 = arith.constant 0 : i32
      %dma_wait3A_264 = tpu.memref_slice %arg4[%add3A_119, %dma_wait3A_263] : memref<32768x768xf32, #tpu.memory_space<hbm>> -> memref<64x768xf32, #tpu.memory_space<hbm>>
      tpu.wait_dma2 semaphore(%run_scoped3A : memref<!tpu.dma_semaphore, #tpu.memory_space<semaphore_mem>>) src(%arg6 : memref<64x768xf32, #tpu.memory_space<vmem>>) dst(%dma_wait3A_264 : memref<64x768xf32, #tpu.memory_space<hbm>>)
      tpu.yield
    }) : () -> ()
    %dma_start3A_120 = arith.constant 8 : i32
    %dma_start3A_121 = arith.constant 0 : i32
    %dma_start3A_122 = tpu.memref_slice %arg5[%dma_start3A_120, %dma_start3A_121] : memref<16x64xi32, #tpu.memory_space<vmem>> -> memref<1x64xi32, #tpu.memory_space<vmem>>
    %dma_start3A_123 = tpu.memref_squeeze %dma_start3A_122 : memref<1x64xi32, #tpu.memory_space<vmem>> -> memref<64xi32, #tpu.memory_space<vmem>>
    %dma_start3A_124 = arith.constant 0 : i32
    %dma_start3A_125 = arith.constant 0 : i32
    %dma_start3A_126 = tpu.memref_slice %arg3[%dma_start3A_124, %dma_start3A_125] : memref<8192x768xf32, #tpu.memory_space<hbm>> -> memref<8192x768xf32, #tpu.memory_space<hbm>>
    tpu.enqueue_indirect_dma source(%dma_start3A_126 : memref<8192x768xf32, #tpu.memory_space<hbm>>) target(%arg6 : memref<64x768xf32, #tpu.memory_space<vmem>>) offsets(%dma_start3A_123 : memref<64xi32, #tpu.memory_space<vmem>>) semaphore(%arg8 : memref<!tpu.dma_semaphore, #tpu.memory_space<semaphore_mem>>)
    %dma_wait3A_127 = arith.constant 7 : i32
    %dma_wait3A_128 = arith.constant 0 : i32
    %dma_wait3A_129 = tpu.memref_slice %arg5[%dma_wait3A_127, %dma_wait3A_128] : memref<16x64xi32, #tpu.memory_space<vmem>> -> memref<1x64xi32, #tpu.memory_space<vmem>>
    %dma_wait3A_130 = tpu.memref_squeeze %dma_wait3A_129 : memref<1x64xi32, #tpu.memory_space<vmem>> -> memref<64xi32, #tpu.memory_space<vmem>>
    %dma_wait3A_131 = arith.constant 0 : i32
    %dma_wait3A_132 = arith.constant 0 : i32
    %dma_wait3A_133 = tpu.memref_slice %arg3[%dma_wait3A_131, %dma_wait3A_132] : memref<8192x768xf32, #tpu.memory_space<hbm>> -> memref<8192x768xf32, #tpu.memory_space<hbm>>
    tpu.wait_indirect_dma semaphore(%arg9 : memref<!tpu.dma_semaphore, #tpu.memory_space<semaphore_mem>>) src(%dma_wait3A_133 : memref<8192x768xf32, #tpu.memory_space<hbm>>) dst(%arg7 : memref<64x768xf32, #tpu.memory_space<vmem>>)
    %add3A_134 = arith.constant 448 : i32
    %add3A_135 = arith.addi %mul3A_2, %add3A_134 : i32
    "tpu.region"() ({
      %run_scoped3A = tpu.sem_alloc : memref<!tpu.dma_semaphore, #tpu.memory_space<semaphore_mem>>
      %dma_start3A_257 = arith.constant 0 : i32
      %dma_start3A_258 = tpu.memref_slice %arg4[%add3A_135, %dma_start3A_257] : memref<32768x768xf32, #tpu.memory_space<hbm>> -> memref<64x768xf32, #tpu.memory_space<hbm>>
      %dma_start3A_259 = arith.constant 0 : i32
      %dma_start3A_260 = tpu.memref_slice %arg4[%add3A_135, %dma_start3A_259] : memref<32768x768xf32, #tpu.memory_space<hbm>> -> memref<64x768xf32, #tpu.memory_space<hbm>>
      tpu.enqueue_dma source(%arg7 : memref<64x768xf32, #tpu.memory_space<vmem>>) target(%dma_start3A_260 : memref<64x768xf32, #tpu.memory_space<hbm>>) target_semaphore(%run_scoped3A : memref<!tpu.dma_semaphore, #tpu.memory_space<semaphore_mem>>)
      %dma_wait3A_261 = arith.constant 0 : i32
      %dma_wait3A_262 = tpu.memref_slice %arg4[%add3A_135, %dma_wait3A_261] : memref<32768x768xf32, #tpu.memory_space<hbm>> -> memref<64x768xf32, #tpu.memory_space<hbm>>
      %dma_wait3A_263 = arith.constant 0 : i32
      %dma_wait3A_264 = tpu.memref_slice %arg4[%add3A_135, %dma_wait3A_263] : memref<32768x768xf32, #tpu.memory_space<hbm>> -> memref<64x768xf32, #tpu.memory_space<hbm>>
      tpu.wait_dma2 semaphore(%run_scoped3A : memref<!tpu.dma_semaphore, #tpu.memory_space<semaphore_mem>>) src(%arg7 : memref<64x768xf32, #tpu.memory_space<vmem>>) dst(%dma_wait3A_264 : memref<64x768xf32, #tpu.memory_space<hbm>>)
      tpu.yield
    }) : () -> ()
    %dma_start3A_136 = arith.constant 9 : i32
    %dma_start3A_137 = arith.constant 0 : i32
    %dma_start3A_138 = tpu.memref_slice %arg5[%dma_start3A_136, %dma_start3A_137] : memref<16x64xi32, #tpu.memory_space<vmem>> -> memref<1x64xi32, #tpu.memory_space<vmem>>
    %dma_start3A_139 = tpu.memref_squeeze %dma_start3A_138 : memref<1x64xi32, #tpu.memory_space<vmem>> -> memref<64xi32, #tpu.memory_space<vmem>>
    %dma_start3A_140 = arith.constant 0 : i32
    %dma_start3A_141 = arith.constant 0 : i32
    %dma_start3A_142 = tpu.memref_slice %arg3[%dma_start3A_140, %dma_start3A_141] : memref<8192x768xf32, #tpu.memory_space<hbm>> -> memref<8192x768xf32, #tpu.memory_space<hbm>>
    tpu.enqueue_indirect_dma source(%dma_start3A_142 : memref<8192x768xf32, #tpu.memory_space<hbm>>) target(%arg7 : memref<64x768xf32, #tpu.memory_space<vmem>>) offsets(%dma_start3A_139 : memref<64xi32, #tpu.memory_space<vmem>>) semaphore(%arg9 : memref<!tpu.dma_semaphore, #tpu.memory_space<semaphore_mem>>)
    %dma_wait3A_143 = arith.constant 8 : i32
    %dma_wait3A_144 = arith.constant 0 : i32
    %dma_wait3A_145 = tpu.memref_slice %arg5[%dma_wait3A_143, %dma_wait3A_144] : memref<16x64xi32, #tpu.memory_space<vmem>> -> memref<1x64xi32, #tpu.memory_space<vmem>>
    %dma_wait3A_146 = tpu.memref_squeeze %dma_wait3A_145 : memref<1x64xi32, #tpu.memory_space<vmem>> -> memref<64xi32, #tpu.memory_space<vmem>>
    %dma_wait3A_147 = arith.constant 0 : i32
    %dma_wait3A_148 = arith.constant 0 : i32
    %dma_wait3A_149 = tpu.memref_slice %arg3[%dma_wait3A_147, %dma_wait3A_148] : memref<8192x768xf32, #tpu.memory_space<hbm>> -> memref<8192x768xf32, #tpu.memory_space<hbm>>
    tpu.wait_indirect_dma semaphore(%arg8 : memref<!tpu.dma_semaphore, #tpu.memory_space<semaphore_mem>>) src(%dma_wait3A_149 : memref<8192x768xf32, #tpu.memory_space<hbm>>) dst(%arg6 : memref<64x768xf32, #tpu.memory_space<vmem>>)
    %add3A_150 = arith.constant 512 : i32
    %add3A_151 = arith.addi %mul3A_2, %add3A_150 : i32
    "tpu.region"() ({
      %run_scoped3A = tpu.sem_alloc : memref<!tpu.dma_semaphore, #tpu.memory_space<semaphore_mem>>
      %dma_start3A_257 = arith.constant 0 : i32
      %dma_start3A_258 = tpu.memref_slice %arg4[%add3A_151, %dma_start3A_257] : memref<32768x768xf32, #tpu.memory_space<hbm>> -> memref<64x768xf32, #tpu.memory_space<hbm>>
      %dma_start3A_259 = arith.constant 0 : i32
      %dma_start3A_260 = tpu.memref_slice %arg4[%add3A_151, %dma_start3A_259] : memref<32768x768xf32, #tpu.memory_space<hbm>> -> memref<64x768xf32, #tpu.memory_space<hbm>>
      tpu.enqueue_dma source(%arg6 : memref<64x768xf32, #tpu.memory_space<vmem>>) target(%dma_start3A_260 : memref<64x768xf32, #tpu.memory_space<hbm>>) target_semaphore(%run_scoped3A : memref<!tpu.dma_semaphore, #tpu.memory_space<semaphore_mem>>)
      %dma_wait3A_261 = arith.constant 0 : i32
      %dma_wait3A_262 = tpu.memref_slice %arg4[%add3A_151, %dma_wait3A_261] : memref<32768x768xf32, #tpu.memory_space<hbm>> -> memref<64x768xf32, #tpu.memory_space<hbm>>
      %dma_wait3A_263 = arith.constant 0 : i32
      %dma_wait3A_264 = tpu.memref_slice %arg4[%add3A_151, %dma_wait3A_263] : memref<32768x768xf32, #tpu.memory_space<hbm>> -> memref<64x768xf32, #tpu.memory_space<hbm>>
      tpu.wait_dma2 semaphore(%run_scoped3A : memref<!tpu.dma_semaphore, #tpu.memory_space<semaphore_mem>>) src(%arg6 : memref<64x768xf32, #tpu.memory_space<vmem>>) dst(%dma_wait3A_264 : memref<64x768xf32, #tpu.memory_space<hbm>>)
      tpu.yield
    }) : () -> ()
    %dma_start3A_152 = arith.constant 10 : i32
    %dma_start3A_153 = arith.constant 0 : i32
    %dma_start3A_154 = tpu.memref_slice %arg5[%dma_start3A_152, %dma_start3A_153] : memref<16x64xi32, #tpu.memory_space<vmem>> -> memref<1x64xi32, #tpu.memory_space<vmem>>
    %dma_start3A_155 = tpu.memref_squeeze %dma_start3A_154 : memref<1x64xi32, #tpu.memory_space<vmem>> -> memref<64xi32, #tpu.memory_space<vmem>>
    %dma_start3A_156 = arith.constant 0 : i32
    %dma_start3A_157 = arith.constant 0 : i32
    %dma_start3A_158 = tpu.memref_slice %arg3[%dma_start3A_156, %dma_start3A_157] : memref<8192x768xf32, #tpu.memory_space<hbm>> -> memref<8192x768xf32, #tpu.memory_space<hbm>>
    tpu.enqueue_indirect_dma source(%dma_start3A_158 : memref<8192x768xf32, #tpu.memory_space<hbm>>) target(%arg6 : memref<64x768xf32, #tpu.memory_space<vmem>>) offsets(%dma_start3A_155 : memref<64xi32, #tpu.memory_space<vmem>>) semaphore(%arg8 : memref<!tpu.dma_semaphore, #tpu.memory_space<semaphore_mem>>)
    %dma_wait3A_159 = arith.constant 9 : i32
    %dma_wait3A_160 = arith.constant 0 : i32
    %dma_wait3A_161 = tpu.memref_slice %arg5[%dma_wait3A_159, %dma_wait3A_160] : memref<16x64xi32, #tpu.memory_space<vmem>> -> memref<1x64xi32, #tpu.memory_space<vmem>>
    %dma_wait3A_162 = tpu.memref_squeeze %dma_wait3A_161 : memref<1x64xi32, #tpu.memory_space<vmem>> -> memref<64xi32, #tpu.memory_space<vmem>>
    %dma_wait3A_163 = arith.constant 0 : i32
    %dma_wait3A_164 = arith.constant 0 : i32
    %dma_wait3A_165 = tpu.memref_slice %arg3[%dma_wait3A_163, %dma_wait3A_164] : memref<8192x768xf32, #tpu.memory_space<hbm>> -> memref<8192x768xf32, #tpu.memory_space<hbm>>
    tpu.wait_indirect_dma semaphore(%arg9 : memref<!tpu.dma_semaphore, #tpu.memory_space<semaphore_mem>>) src(%dma_wait3A_165 : memref<8192x768xf32, #tpu.memory_space<hbm>>) dst(%arg7 : memref<64x768xf32, #tpu.memory_space<vmem>>)
    %add3A_166 = arith.constant 576 : i32
    %add3A_167 = arith.addi %mul3A_2, %add3A_166 : i32
    "tpu.region"() ({
      %run_scoped3A = tpu.sem_alloc : memref<!tpu.dma_semaphore, #tpu.memory_space<semaphore_mem>>
      %dma_start3A_257 = arith.constant 0 : i32
      %dma_start3A_258 = tpu.memref_slice %arg4[%add3A_167, %dma_start3A_257] : memref<32768x768xf32, #tpu.memory_space<hbm>> -> memref<64x768xf32, #tpu.memory_space<hbm>>
      %dma_start3A_259 = arith.constant 0 : i32
      %dma_start3A_260 = tpu.memref_slice %arg4[%add3A_167, %dma_start3A_259] : memref<32768x768xf32, #tpu.memory_space<hbm>> -> memref<64x768xf32, #tpu.memory_space<hbm>>
      tpu.enqueue_dma source(%arg7 : memref<64x768xf32, #tpu.memory_space<vmem>>) target(%dma_start3A_260 : memref<64x768xf32, #tpu.memory_space<hbm>>) target_semaphore(%run_scoped3A : memref<!tpu.dma_semaphore, #tpu.memory_space<semaphore_mem>>)
      %dma_wait3A_261 = arith.constant 0 : i32
      %dma_wait3A_262 = tpu.memref_slice %arg4[%add3A_167, %dma_wait3A_261] : memref<32768x768xf32, #tpu.memory_space<hbm>> -> memref<64x768xf32, #tpu.memory_space<hbm>>
      %dma_wait3A_263 = arith.constant 0 : i32
      %dma_wait3A_264 = tpu.memref_slice %arg4[%add3A_167, %dma_wait3A_263] : memref<32768x768xf32, #tpu.memory_space<hbm>> -> memref<64x768xf32, #tpu.memory_space<hbm>>
      tpu.wait_dma2 semaphore(%run_scoped3A : memref<!tpu.dma_semaphore, #tpu.memory_space<semaphore_mem>>) src(%arg7 : memref<64x768xf32, #tpu.memory_space<vmem>>) dst(%dma_wait3A_264 : memref<64x768xf32, #tpu.memory_space<hbm>>)
      tpu.yield
    }) : () -> ()
    %dma_start3A_168 = arith.constant 11 : i32
    %dma_start3A_169 = arith.constant 0 : i32
    %dma_start3A_170 = tpu.memref_slice %arg5[%dma_start3A_168, %dma_start3A_169] : memref<16x64xi32, #tpu.memory_space<vmem>> -> memref<1x64xi32, #tpu.memory_space<vmem>>
    %dma_start3A_171 = tpu.memref_squeeze %dma_start3A_170 : memref<1x64xi32, #tpu.memory_space<vmem>> -> memref<64xi32, #tpu.memory_space<vmem>>
    %dma_start3A_172 = arith.constant 0 : i32
    %dma_start3A_173 = arith.constant 0 : i32
    %dma_start3A_174 = tpu.memref_slice %arg3[%dma_start3A_172, %dma_start3A_173] : memref<8192x768xf32, #tpu.memory_space<hbm>> -> memref<8192x768xf32, #tpu.memory_space<hbm>>
    tpu.enqueue_indirect_dma source(%dma_start3A_174 : memref<8192x768xf32, #tpu.memory_space<hbm>>) target(%arg7 : memref<64x768xf32, #tpu.memory_space<vmem>>) offsets(%dma_start3A_171 : memref<64xi32, #tpu.memory_space<vmem>>) semaphore(%arg9 : memref<!tpu.dma_semaphore, #tpu.memory_space<semaphore_mem>>)
    %dma_wait3A_175 = arith.constant 10 : i32
    %dma_wait3A_176 = arith.constant 0 : i32
    %dma_wait3A_177 = tpu.memref_slice %arg5[%dma_wait3A_175, %dma_wait3A_176] : memref<16x64xi32, #tpu.memory_space<vmem>> -> memref<1x64xi32, #tpu.memory_space<vmem>>
    %dma_wait3A_178 = tpu.memref_squeeze %dma_wait3A_177 : memref<1x64xi32, #tpu.memory_space<vmem>> -> memref<64xi32, #tpu.memory_space<vmem>>
    %dma_wait3A_179 = arith.constant 0 : i32
    %dma_wait3A_180 = arith.constant 0 : i32
    %dma_wait3A_181 = tpu.memref_slice %arg3[%dma_wait3A_179, %dma_wait3A_180] : memref<8192x768xf32, #tpu.memory_space<hbm>> -> memref<8192x768xf32, #tpu.memory_space<hbm>>
    tpu.wait_indirect_dma semaphore(%arg8 : memref<!tpu.dma_semaphore, #tpu.memory_space<semaphore_mem>>) src(%dma_wait3A_181 : memref<8192x768xf32, #tpu.memory_space<hbm>>) dst(%arg6 : memref<64x768xf32, #tpu.memory_space<vmem>>)
    %add3A_182 = arith.constant 640 : i32
    %add3A_183 = arith.addi %mul3A_2, %add3A_182 : i32
    "tpu.region"() ({
      %run_scoped3A = tpu.sem_alloc : memref<!tpu.dma_semaphore, #tpu.memory_space<semaphore_mem>>
      %dma_start3A_257 = arith.constant 0 : i32
      %dma_start3A_258 = tpu.memref_slice %arg4[%add3A_183, %dma_start3A_257] : memref<32768x768xf32, #tpu.memory_space<hbm>> -> memref<64x768xf32, #tpu.memory_space<hbm>>
      %dma_start3A_259 = arith.constant 0 : i32
      %dma_start3A_260 = tpu.memref_slice %arg4[%add3A_183, %dma_start3A_259] : memref<32768x768xf32, #tpu.memory_space<hbm>> -> memref<64x768xf32, #tpu.memory_space<hbm>>
      tpu.enqueue_dma source(%arg6 : memref<64x768xf32, #tpu.memory_space<vmem>>) target(%dma_start3A_260 : memref<64x768xf32, #tpu.memory_space<hbm>>) target_semaphore(%run_scoped3A : memref<!tpu.dma_semaphore, #tpu.memory_space<semaphore_mem>>)
      %dma_wait3A_261 = arith.constant 0 : i32
      %dma_wait3A_262 = tpu.memref_slice %arg4[%add3A_183, %dma_wait3A_261] : memref<32768x768xf32, #tpu.memory_space<hbm>> -> memref<64x768xf32, #tpu.memory_space<hbm>>
      %dma_wait3A_263 = arith.constant 0 : i32
      %dma_wait3A_264 = tpu.memref_slice %arg4[%add3A_183, %dma_wait3A_263] : memref<32768x768xf32, #tpu.memory_space<hbm>> -> memref<64x768xf32, #tpu.memory_space<hbm>>
      tpu.wait_dma2 semaphore(%run_scoped3A : memref<!tpu.dma_semaphore, #tpu.memory_space<semaphore_mem>>) src(%arg6 : memref<64x768xf32, #tpu.memory_space<vmem>>) dst(%dma_wait3A_264 : memref<64x768xf32, #tpu.memory_space<hbm>>)
      tpu.yield
    }) : () -> ()
    %dma_start3A_184 = arith.constant 12 : i32
    %dma_start3A_185 = arith.constant 0 : i32
    %dma_start3A_186 = tpu.memref_slice %arg5[%dma_start3A_184, %dma_start3A_185] : memref<16x64xi32, #tpu.memory_space<vmem>> -> memref<1x64xi32, #tpu.memory_space<vmem>>
    %dma_start3A_187 = tpu.memref_squeeze %dma_start3A_186 : memref<1x64xi32, #tpu.memory_space<vmem>> -> memref<64xi32, #tpu.memory_space<vmem>>
    %dma_start3A_188 = arith.constant 0 : i32
    %dma_start3A_189 = arith.constant 0 : i32
    %dma_start3A_190 = tpu.memref_slice %arg3[%dma_start3A_188, %dma_start3A_189] : memref<8192x768xf32, #tpu.memory_space<hbm>> -> memref<8192x768xf32, #tpu.memory_space<hbm>>
    tpu.enqueue_indirect_dma source(%dma_start3A_190 : memref<8192x768xf32, #tpu.memory_space<hbm>>) target(%arg6 : memref<64x768xf32, #tpu.memory_space<vmem>>) offsets(%dma_start3A_187 : memref<64xi32, #tpu.memory_space<vmem>>) semaphore(%arg8 : memref<!tpu.dma_semaphore, #tpu.memory_space<semaphore_mem>>)
    %dma_wait3A_191 = arith.constant 11 : i32
    %dma_wait3A_192 = arith.constant 0 : i32
    %dma_wait3A_193 = tpu.memref_slice %arg5[%dma_wait3A_191, %dma_wait3A_192] : memref<16x64xi32, #tpu.memory_space<vmem>> -> memref<1x64xi32, #tpu.memory_space<vmem>>
    %dma_wait3A_194 = tpu.memref_squeeze %dma_wait3A_193 : memref<1x64xi32, #tpu.memory_space<vmem>> -> memref<64xi32, #tpu.memory_space<vmem>>
    %dma_wait3A_195 = arith.constant 0 : i32
    %dma_wait3A_196 = arith.constant 0 : i32
    %dma_wait3A_197 = tpu.memref_slice %arg3[%dma_wait3A_195, %dma_wait3A_196] : memref<8192x768xf32, #tpu.memory_space<hbm>> -> memref<8192x768xf32, #tpu.memory_space<hbm>>
    tpu.wait_indirect_dma semaphore(%arg9 : memref<!tpu.dma_semaphore, #tpu.memory_space<semaphore_mem>>) src(%dma_wait3A_197 : memref<8192x768xf32, #tpu.memory_space<hbm>>) dst(%arg7 : memref<64x768xf32, #tpu.memory_space<vmem>>)
    %add3A_198 = arith.constant 704 : i32
    %add3A_199 = arith.addi %mul3A_2, %add3A_198 : i32
    "tpu.region"() ({
      %run_scoped3A = tpu.sem_alloc : memref<!tpu.dma_semaphore, #tpu.memory_space<semaphore_mem>>
      %dma_start3A_257 = arith.constant 0 : i32
      %dma_start3A_258 = tpu.memref_slice %arg4[%add3A_199, %dma_start3A_257] : memref<32768x768xf32, #tpu.memory_space<hbm>> -> memref<64x768xf32, #tpu.memory_space<hbm>>
      %dma_start3A_259 = arith.constant 0 : i32
      %dma_start3A_260 = tpu.memref_slice %arg4[%add3A_199, %dma_start3A_259] : memref<32768x768xf32, #tpu.memory_space<hbm>> -> memref<64x768xf32, #tpu.memory_space<hbm>>
      tpu.enqueue_dma source(%arg7 : memref<64x768xf32, #tpu.memory_space<vmem>>) target(%dma_start3A_260 : memref<64x768xf32, #tpu.memory_space<hbm>>) target_semaphore(%run_scoped3A : memref<!tpu.dma_semaphore, #tpu.memory_space<semaphore_mem>>)
      %dma_wait3A_261 = arith.constant 0 : i32
      %dma_wait3A_262 = tpu.memref_slice %arg4[%add3A_199, %dma_wait3A_261] : memref<32768x768xf32, #tpu.memory_space<hbm>> -> memref<64x768xf32, #tpu.memory_space<hbm>>
      %dma_wait3A_263 = arith.constant 0 : i32
      %dma_wait3A_264 = tpu.memref_slice %arg4[%add3A_199, %dma_wait3A_263] : memref<32768x768xf32, #tpu.memory_space<hbm>> -> memref<64x768xf32, #tpu.memory_space<hbm>>
      tpu.wait_dma2 semaphore(%run_scoped3A : memref<!tpu.dma_semaphore, #tpu.memory_space<semaphore_mem>>) src(%arg7 : memref<64x768xf32, #tpu.memory_space<vmem>>) dst(%dma_wait3A_264 : memref<64x768xf32, #tpu.memory_space<hbm>>)
      tpu.yield
    }) : () -> ()
    %dma_start3A_200 = arith.constant 13 : i32
    %dma_start3A_201 = arith.constant 0 : i32
    %dma_start3A_202 = tpu.memref_slice %arg5[%dma_start3A_200, %dma_start3A_201] : memref<16x64xi32, #tpu.memory_space<vmem>> -> memref<1x64xi32, #tpu.memory_space<vmem>>
    %dma_start3A_203 = tpu.memref_squeeze %dma_start3A_202 : memref<1x64xi32, #tpu.memory_space<vmem>> -> memref<64xi32, #tpu.memory_space<vmem>>
    %dma_start3A_204 = arith.constant 0 : i32
    %dma_start3A_205 = arith.constant 0 : i32
    %dma_start3A_206 = tpu.memref_slice %arg3[%dma_start3A_204, %dma_start3A_205] : memref<8192x768xf32, #tpu.memory_space<hbm>> -> memref<8192x768xf32, #tpu.memory_space<hbm>>
    tpu.enqueue_indirect_dma source(%dma_start3A_206 : memref<8192x768xf32, #tpu.memory_space<hbm>>) target(%arg7 : memref<64x768xf32, #tpu.memory_space<vmem>>) offsets(%dma_start3A_203 : memref<64xi32, #tpu.memory_space<vmem>>) semaphore(%arg9 : memref<!tpu.dma_semaphore, #tpu.memory_space<semaphore_mem>>)
    %dma_wait3A_207 = arith.constant 12 : i32
    %dma_wait3A_208 = arith.constant 0 : i32
    %dma_wait3A_209 = tpu.memref_slice %arg5[%dma_wait3A_207, %dma_wait3A_208] : memref<16x64xi32, #tpu.memory_space<vmem>> -> memref<1x64xi32, #tpu.memory_space<vmem>>
    %dma_wait3A_210 = tpu.memref_squeeze %dma_wait3A_209 : memref<1x64xi32, #tpu.memory_space<vmem>> -> memref<64xi32, #tpu.memory_space<vmem>>
    %dma_wait3A_211 = arith.constant 0 : i32
    %dma_wait3A_212 = arith.constant 0 : i32
    %dma_wait3A_213 = tpu.memref_slice %arg3[%dma_wait3A_211, %dma_wait3A_212] : memref<8192x768xf32, #tpu.memory_space<hbm>> -> memref<8192x768xf32, #tpu.memory_space<hbm>>
    tpu.wait_indirect_dma semaphore(%arg8 : memref<!tpu.dma_semaphore, #tpu.memory_space<semaphore_mem>>) src(%dma_wait3A_213 : memref<8192x768xf32, #tpu.memory_space<hbm>>) dst(%arg6 : memref<64x768xf32, #tpu.memory_space<vmem>>)
    %add3A_214 = arith.constant 768 : i32
    %add3A_215 = arith.addi %mul3A_2, %add3A_214 : i32
    "tpu.region"() ({
      %run_scoped3A = tpu.sem_alloc : memref<!tpu.dma_semaphore, #tpu.memory_space<semaphore_mem>>
      %dma_start3A_257 = arith.constant 0 : i32
      %dma_start3A_258 = tpu.memref_slice %arg4[%add3A_215, %dma_start3A_257] : memref<32768x768xf32, #tpu.memory_space<hbm>> -> memref<64x768xf32, #tpu.memory_space<hbm>>
      %dma_start3A_259 = arith.constant 0 : i32
      %dma_start3A_260 = tpu.memref_slice %arg4[%add3A_215, %dma_start3A_259] : memref<32768x768xf32, #tpu.memory_space<hbm>> -> memref<64x768xf32, #tpu.memory_space<hbm>>
      tpu.enqueue_dma source(%arg6 : memref<64x768xf32, #tpu.memory_space<vmem>>) target(%dma_start3A_260 : memref<64x768xf32, #tpu.memory_space<hbm>>) target_semaphore(%run_scoped3A : memref<!tpu.dma_semaphore, #tpu.memory_space<semaphore_mem>>)
      %dma_wait3A_261 = arith.constant 0 : i32
      %dma_wait3A_262 = tpu.memref_slice %arg4[%add3A_215, %dma_wait3A_261] : memref<32768x768xf32, #tpu.memory_space<hbm>> -> memref<64x768xf32, #tpu.memory_space<hbm>>
      %dma_wait3A_263 = arith.constant 0 : i32
      %dma_wait3A_264 = tpu.memref_slice %arg4[%add3A_215, %dma_wait3A_263] : memref<32768x768xf32, #tpu.memory_space<hbm>> -> memref<64x768xf32, #tpu.memory_space<hbm>>
      tpu.wait_dma2 semaphore(%run_scoped3A : memref<!tpu.dma_semaphore, #tpu.memory_space<semaphore_mem>>) src(%arg6 : memref<64x768xf32, #tpu.memory_space<vmem>>) dst(%dma_wait3A_264 : memref<64x768xf32, #tpu.memory_space<hbm>>)
      tpu.yield
    }) : () -> ()
    %dma_start3A_216 = arith.constant 14 : i32
    %dma_start3A_217 = arith.constant 0 : i32
    %dma_start3A_218 = tpu.memref_slice %arg5[%dma_start3A_216, %dma_start3A_217] : memref<16x64xi32, #tpu.memory_space<vmem>> -> memref<1x64xi32, #tpu.memory_space<vmem>>
    %dma_start3A_219 = tpu.memref_squeeze %dma_start3A_218 : memref<1x64xi32, #tpu.memory_space<vmem>> -> memref<64xi32, #tpu.memory_space<vmem>>
    %dma_start3A_220 = arith.constant 0 : i32
    %dma_start3A_221 = arith.constant 0 : i32
    %dma_start3A_222 = tpu.memref_slice %arg3[%dma_start3A_220, %dma_start3A_221] : memref<8192x768xf32, #tpu.memory_space<hbm>> -> memref<8192x768xf32, #tpu.memory_space<hbm>>
    tpu.enqueue_indirect_dma source(%dma_start3A_222 : memref<8192x768xf32, #tpu.memory_space<hbm>>) target(%arg6 : memref<64x768xf32, #tpu.memory_space<vmem>>) offsets(%dma_start3A_219 : memref<64xi32, #tpu.memory_space<vmem>>) semaphore(%arg8 : memref<!tpu.dma_semaphore, #tpu.memory_space<semaphore_mem>>)
    %dma_wait3A_223 = arith.constant 13 : i32
    %dma_wait3A_224 = arith.constant 0 : i32
    %dma_wait3A_225 = tpu.memref_slice %arg5[%dma_wait3A_223, %dma_wait3A_224] : memref<16x64xi32, #tpu.memory_space<vmem>> -> memref<1x64xi32, #tpu.memory_space<vmem>>
    %dma_wait3A_226 = tpu.memref_squeeze %dma_wait3A_225 : memref<1x64xi32, #tpu.memory_space<vmem>> -> memref<64xi32, #tpu.memory_space<vmem>>
    %dma_wait3A_227 = arith.constant 0 : i32
    %dma_wait3A_228 = arith.constant 0 : i32
    %dma_wait3A_229 = tpu.memref_slice %arg3[%dma_wait3A_227, %dma_wait3A_228] : memref<8192x768xf32, #tpu.memory_space<hbm>> -> memref<8192x768xf32, #tpu.memory_space<hbm>>
    tpu.wait_indirect_dma semaphore(%arg9 : memref<!tpu.dma_semaphore, #tpu.memory_space<semaphore_mem>>) src(%dma_wait3A_229 : memref<8192x768xf32, #tpu.memory_space<hbm>>) dst(%arg7 : memref<64x768xf32, #tpu.memory_space<vmem>>)
    %add3A_230 = arith.constant 832 : i32
    %add3A_231 = arith.addi %mul3A_2, %add3A_230 : i32
    "tpu.region"() ({
      %run_scoped3A = tpu.sem_alloc : memref<!tpu.dma_semaphore, #tpu.memory_space<semaphore_mem>>
      %dma_start3A_257 = arith.constant 0 : i32
      %dma_start3A_258 = tpu.memref_slice %arg4[%add3A_231, %dma_start3A_257] : memref<32768x768xf32, #tpu.memory_space<hbm>> -> memref<64x768xf32, #tpu.memory_space<hbm>>
      %dma_start3A_259 = arith.constant 0 : i32
      %dma_start3A_260 = tpu.memref_slice %arg4[%add3A_231, %dma_start3A_259] : memref<32768x768xf32, #tpu.memory_space<hbm>> -> memref<64x768xf32, #tpu.memory_space<hbm>>
      tpu.enqueue_dma source(%arg7 : memref<64x768xf32, #tpu.memory_space<vmem>>) target(%dma_start3A_260 : memref<64x768xf32, #tpu.memory_space<hbm>>) target_semaphore(%run_scoped3A : memref<!tpu.dma_semaphore, #tpu.memory_space<semaphore_mem>>)
      %dma_wait3A_261 = arith.constant 0 : i32
      %dma_wait3A_262 = tpu.memref_slice %arg4[%add3A_231, %dma_wait3A_261] : memref<32768x768xf32, #tpu.memory_space<hbm>> -> memref<64x768xf32, #tpu.memory_space<hbm>>
      %dma_wait3A_263 = arith.constant 0 : i32
      %dma_wait3A_264 = tpu.memref_slice %arg4[%add3A_231, %dma_wait3A_263] : memref<32768x768xf32, #tpu.memory_space<hbm>> -> memref<64x768xf32, #tpu.memory_space<hbm>>
      tpu.wait_dma2 semaphore(%run_scoped3A : memref<!tpu.dma_semaphore, #tpu.memory_space<semaphore_mem>>) src(%arg7 : memref<64x768xf32, #tpu.memory_space<vmem>>) dst(%dma_wait3A_264 : memref<64x768xf32, #tpu.memory_space<hbm>>)
      tpu.yield
    }) : () -> ()
    %dma_start3A_232 = arith.constant 15 : i32
    %dma_start3A_233 = arith.constant 0 : i32
    %dma_start3A_234 = tpu.memref_slice %arg5[%dma_start3A_232, %dma_start3A_233] : memref<16x64xi32, #tpu.memory_space<vmem>> -> memref<1x64xi32, #tpu.memory_space<vmem>>
    %dma_start3A_235 = tpu.memref_squeeze %dma_start3A_234 : memref<1x64xi32, #tpu.memory_space<vmem>> -> memref<64xi32, #tpu.memory_space<vmem>>
    %dma_start3A_236 = arith.constant 0 : i32
    %dma_start3A_237 = arith.constant 0 : i32
    %dma_start3A_238 = tpu.memref_slice %arg3[%dma_start3A_236, %dma_start3A_237] : memref<8192x768xf32, #tpu.memory_space<hbm>> -> memref<8192x768xf32, #tpu.memory_space<hbm>>
    tpu.enqueue_indirect_dma source(%dma_start3A_238 : memref<8192x768xf32, #tpu.memory_space<hbm>>) target(%arg7 : memref<64x768xf32, #tpu.memory_space<vmem>>) offsets(%dma_start3A_235 : memref<64xi32, #tpu.memory_space<vmem>>) semaphore(%arg9 : memref<!tpu.dma_semaphore, #tpu.memory_space<semaphore_mem>>)
    %dma_wait3A_239 = arith.constant 14 : i32
    %dma_wait3A_240 = arith.constant 0 : i32
    %dma_wait3A_241 = tpu.memref_slice %arg5[%dma_wait3A_239, %dma_wait3A_240] : memref<16x64xi32, #tpu.memory_space<vmem>> -> memref<1x64xi32, #tpu.memory_space<vmem>>
    %dma_wait3A_242 = tpu.memref_squeeze %dma_wait3A_241 : memref<1x64xi32, #tpu.memory_space<vmem>> -> memref<64xi32, #tpu.memory_space<vmem>>
    %dma_wait3A_243 = arith.constant 0 : i32
    %dma_wait3A_244 = arith.constant 0 : i32
    %dma_wait3A_245 = tpu.memref_slice %arg3[%dma_wait3A_243, %dma_wait3A_244] : memref<8192x768xf32, #tpu.memory_space<hbm>> -> memref<8192x768xf32, #tpu.memory_space<hbm>>
    tpu.wait_indirect_dma semaphore(%arg8 : memref<!tpu.dma_semaphore, #tpu.memory_space<semaphore_mem>>) src(%dma_wait3A_245 : memref<8192x768xf32, #tpu.memory_space<hbm>>) dst(%arg6 : memref<64x768xf32, #tpu.memory_space<vmem>>)
    %add3A_246 = arith.constant 896 : i32
    %add3A_247 = arith.addi %mul3A_2, %add3A_246 : i32
    "tpu.region"() ({
      %run_scoped3A = tpu.sem_alloc : memref<!tpu.dma_semaphore, #tpu.memory_space<semaphore_mem>>
      %dma_start3A_257 = arith.constant 0 : i32
      %dma_start3A_258 = tpu.memref_slice %arg4[%add3A_247, %dma_start3A_257] : memref<32768x768xf32, #tpu.memory_space<hbm>> -> memref<64x768xf32, #tpu.memory_space<hbm>>
      %dma_start3A_259 = arith.constant 0 : i32
      %dma_start3A_260 = tpu.memref_slice %arg4[%add3A_247, %dma_start3A_259] : memref<32768x768xf32, #tpu.memory_space<hbm>> -> memref<64x768xf32, #tpu.memory_space<hbm>>
      tpu.enqueue_dma source(%arg6 : memref<64x768xf32, #tpu.memory_space<vmem>>) target(%dma_start3A_260 : memref<64x768xf32, #tpu.memory_space<hbm>>) target_semaphore(%run_scoped3A : memref<!tpu.dma_semaphore, #tpu.memory_space<semaphore_mem>>)
      %dma_wait3A_261 = arith.constant 0 : i32
      %dma_wait3A_262 = tpu.memref_slice %arg4[%add3A_247, %dma_wait3A_261] : memref<32768x768xf32, #tpu.memory_space<hbm>> -> memref<64x768xf32, #tpu.memory_space<hbm>>
      %dma_wait3A_263 = arith.constant 0 : i32
      %dma_wait3A_264 = tpu.memref_slice %arg4[%add3A_247, %dma_wait3A_263] : memref<32768x768xf32, #tpu.memory_space<hbm>> -> memref<64x768xf32, #tpu.memory_space<hbm>>
      tpu.wait_dma2 semaphore(%run_scoped3A : memref<!tpu.dma_semaphore, #tpu.memory_space<semaphore_mem>>) src(%arg6 : memref<64x768xf32, #tpu.memory_space<vmem>>) dst(%dma_wait3A_264 : memref<64x768xf32, #tpu.memory_space<hbm>>)
      tpu.yield
    }) : () -> ()
    %dma_wait3A_248 = arith.constant 15 : i32
    %dma_wait3A_249 = arith.constant 0 : i32
    %dma_wait3A_250 = tpu.memref_slice %arg5[%dma_wait3A_248, %dma_wait3A_249] : memref<16x64xi32, #tpu.memory_space<vmem>> -> memref<1x64xi32, #tpu.memory_space<vmem>>
    %dma_wait3A_251 = tpu.memref_squeeze %dma_wait3A_250 : memref<1x64xi32, #tpu.memory_space<vmem>> -> memref<64xi32, #tpu.memory_space<vmem>>
    %dma_wait3A_252 = arith.constant 0 : i32
    %dma_wait3A_253 = arith.constant 0 : i32
    %dma_wait3A_254 = tpu.memref_slice %arg3[%dma_wait3A_252, %dma_wait3A_253] : memref<8192x768xf32, #tpu.memory_space<hbm>> -> memref<8192x768xf32, #tpu.memory_space<hbm>>
    tpu.wait_indirect_dma semaphore(%arg9 : memref<!tpu.dma_semaphore, #tpu.memory_space<semaphore_mem>>) src(%dma_wait3A_254 : memref<8192x768xf32, #tpu.memory_space<hbm>>) dst(%arg7 : memref<64x768xf32, #tpu.memory_space<vmem>>)
    %add3A_255 = arith.constant 960 : i32
    %add3A_256 = arith.addi %mul3A_2, %add3A_255 : i32
    "tpu.region"() ({
      %run_scoped3A = tpu.sem_alloc : memref<!tpu.dma_semaphore, #tpu.memory_space<semaphore_mem>>
      %dma_start3A_257 = arith.constant 0 : i32
      %dma_start3A_258 = tpu.memref_slice %arg4[%add3A_256, %dma_start3A_257] : memref<32768x768xf32, #tpu.memory_space<hbm>> -> memref<64x768xf32, #tpu.memory_space<hbm>>
      %dma_start3A_259 = arith.constant 0 : i32
      %dma_start3A_260 = tpu.memref_slice %arg4[%add3A_256, %dma_start3A_259] : memref<32768x768xf32, #tpu.memory_space<hbm>> -> memref<64x768xf32, #tpu.memory_space<hbm>>
      tpu.enqueue_dma source(%arg7 : memref<64x768xf32, #tpu.memory_space<vmem>>) target(%dma_start3A_260 : memref<64x768xf32, #tpu.memory_space<hbm>>) target_semaphore(%run_scoped3A : memref<!tpu.dma_semaphore, #tpu.memory_space<semaphore_mem>>)
      %dma_wait3A_261 = arith.constant 0 : i32
      %dma_wait3A_262 = tpu.memref_slice %arg4[%add3A_256, %dma_wait3A_261] : memref<32768x768xf32, #tpu.memory_space<hbm>> -> memref<64x768xf32, #tpu.memory_space<hbm>>
      %dma_wait3A_263 = arith.constant 0 : i32
      %dma_wait3A_264 = tpu.memref_slice %arg4[%add3A_256, %dma_wait3A_263] : memref<32768x768xf32, #tpu.memory_space<hbm>> -> memref<64x768xf32, #tpu.memory_space<hbm>>
      tpu.wait_dma2 semaphore(%run_scoped3A : memref<!tpu.dma_semaphore, #tpu.memory_space<semaphore_mem>>) src(%arg7 : memref<64x768xf32, #tpu.memory_space<vmem>>) dst(%dma_wait3A_264 : memref<64x768xf32, #tpu.memory_space<hbm>>)
      tpu.yield
    }) : () -> ()
    return
  }
}

</mosaic_0001>

<sc_bundles>
// kernel: kernel.3.cloned.1.call-start
scs
__scs_entry_jumppad:
0x0: {  	(pc) =	sbr.rel $0x88, $3  }
0x1: {  	(tag) =	ssettag $0x0;
	lr =	simm.s32 $0x1  }
0x2: {  	[smem:$0x3F9F] =	sst lr;
	_ =	strace $0xD0000000  }
0x3: {  	_ = 	snop  }
0x4: {  	_ = 	snop  }
0x5: {  	_ = 	snop  }
0x6: {  	_ = 	snop  }
0x7: {  	_ = 	snop  }
__scs_overlays_trampoline_lowered:
0x8: {  	[smem:$0x3FAE] =	sst s0  }
0x9: {  	[smem:$0x3FAF] =	sst s1  }
0xa: {  	[smem:$0x3FB0] =	sst s2  }
0xb: {  	[smem:$0x3FB1] =	sst s3  }
0xc: {  	[smem:$0x3FB2] =	sst s4  }
0xd: {  	[smem:$0x3FB3] =	sst s5  }
0xe: {  	[smem:$0x3FB4] =	sst s6  }
0xf: {  	[smem:$0x3FB5] =	sst s7  }
0x10: {  	[smem:$0x3FB6] =	sst s8  }
0x11: {  	[smem:$0x3FB7] =	sst s9;
	s0 =	simm.s32 @!p0 $0x0  }
0x12: {  	s1 =	sld [smem:$0x3F9D];
	s0 =	simm.s32 @p0 $0x1  }
0x13: {  	[smem:$0x3FB8] =	sst s0;
	s0 =	simm.s32 @!p1 $0x0  }
0x14: {  	s2 =	sld [smem:$0x3F9C];
	s0 =	simm.s32 @p1 $0x1  }
0x15: {  	[smem:$0x3FB9] =	sst s0;
	s0 =	simm.s32 @!p2 $0x0  }
0x16: {  	s3 =	sld [smem:$0x3FDB];
	s0 =	simm.s32 @p2 $0x1  }
0x17: {  	s4 =	simm.s32 $0x1BF5;
	[smem:$0x3FBB] =	sst s0  }
0x18: {  	s0 =	sld [smem:$0x3F9E];
	_ =	swait.ge [sflag:s4], $0x0  }
0x19: {  	s7 =	sld [smem:$0x3F9F]  }
0x1a: {  	s8 =	sadd.s32 $0xFFFFE003, lr  }
0x1b: {  	s9 =	sadd.s32 $0xFFFFFEF7, lr;
	s5 =	simm.s32 $0xFFFFFFFF;
	p2 =	slt.u32 s8, $0xFFFFF086  }
0x1c: {  	p1 =	slt.u32 s9, $0xF7A;
	s5 =	simm.s32 @!p2 $0x0  }
0x1d: {  	s5 =	simm.s32 @p1 $0x1;
	p0 =	seq.s32 s7, s2  }
0x1e: {  	s7 =	smul.u32 @!p0 $0xF7A, s2;
	p2 =	seq.s32 @!p0 s5, $0x0  }
0x1f: {  	s9 =	smul.u32 $0xF7A, s1;
	s8 =	simm.s32 @!p0 $0x1BF5;
	p2 =	por !p2, p0  }
0x20: {  	[sflag:s8] =	ssyncset.s32 @!p0 $0xFFFFF086;
	s6 =	sadd.s32 @!p0 s3, s7;
	s7 =	simm.s32 @!p0 $0x108  }
0x21: {  	s3 =	sadd.s32 s3, s9;
	s6 =	sadd.s32 @!p0 $0x88, s6;
	s7 =	simm.s32 @p2 $0x1082  }
0x22: {  	[simem:s7], [sflag:s8] =	dma.local @!p0 [hbm:s6], $0xF7A  }
0x23: {  	s9 =	sor.u32 $0xD0000000, s2;
	s6 =	simm.s32 $0x108;
	_ =	swait.ge @!p0 [sflag:s8], $0x0  }
0x24: {  	s3 =	sadd.s32 $0x88, s3;
	s6 =	simm.s32 @!p1 $0x1082;
	[sflag:s4] =	ssyncset.s32 $0xFFFFF086  }
0x25: {  	[simem:s6], [sflag:s4] =	dma.local [hbm:s3], $0xF7A  }
0x26: {  	[smem:$0x3F9F] =	sst s1;
	(tag) =	ssettag s2;
	_ =	strace s9  }
0x27: {  	s1 =	sld [smem:$0x3FAF]  }
0x28: {  	s2 =	sld [smem:$0x3FB0]  }
0x29: {  	s4 =	sld [smem:$0x3FB2]  }
0x2a: {  	p0 =	seq.s32 s5, $0x0;
	s5 =	sld [smem:$0x3FB3]  }
0x2b: {  	s6 =	sld [smem:$0x3FB4]  }
0x2c: {  	s7 =	sld [smem:$0x3FB5]  }
0x2d: {  	s3 =	simm.s32 $0x108;
	s8 =	sld [smem:$0x3FB6]  }
0x2e: {  	s3 =	simm.s32 @!p0 $0x1082;
	s9 =	sld [smem:$0x3FB7]  }
0x2f: {  	lr =	sadd.s32 s0, s3;
	s0 =	sld [smem:$0x3FAE]  }
0x30: {  	s3 =	sld [smem:$0x3FB1]  }
0x31: {  	[smem:$0x3FBA] =	sst s10  }
0x32: {  	s10 =	sld [smem:$0x3FB8];
	_ =	sdelay $0x3  }
0x33: {  	p0 =	seq.s32 s10, $0x1;
	s10 =	sld [smem:$0x3FBA];
	_ =	sdelay $0x3  }
0x34: {  	[smem:$0x3FBA] =	sst s10  }
0x35: {  	s10 =	sld [smem:$0x3FB9];
	_ =	sdelay $0x3  }
0x36: {  	p1 =	seq.s32 s10, $0x1;
	s10 =	sld [smem:$0x3FBA];
	_ =	sdelay $0x3  }
0x37: {  	[smem:$0x3FBA] =	sst s10  }
0x38: {  	s10 =	sld [smem:$0x3FBB]  }
0x39: {  	_ = 	snop;
	(pc) =	sbr.ind lr, $3  }
0x3a: {  	_ = 	snop  }
0x3b: {  	_ = 	snop  }
0x3c: {  	p2 =	seq.s32 s10, $0x1;
	s10 =	sld [smem:$0x3FBA]  }
0x3d: {  	_ =	shalt  }
0x3e: {  	_ =	shalt  }
0x3f: {  	_ =	shalt  }
0x40: {  	_ =	shalt  }
0x41: {  	_ =	shalt  }
0x42: {  	_ =	shalt  }
0x43: {  	_ =	shalt  }
0x44: {  	_ =	shalt  }
0x45: {  	_ =	shalt  }
0x46: {  	_ =	shalt  }
0x47: {  	_ =	shalt  }
0x48: {  	_ =	shalt  }
0x49: {  	_ =	shalt  }
0x4a: {  	_ =	shalt  }
0x4b: {  	_ =	shalt  }
0x4c: {  	_ =	shalt  }
0x4d: {  	_ =	shalt  }
0x4e: {  	_ =	shalt  }
0x4f: {  	_ =	shalt  }
0x50: {  	_ =	shalt  }
0x51: {  	_ =	shalt  }
0x52: {  	_ =	shalt  }
0x53: {  	_ =	shalt  }
0x54: {  	_ =	shalt  }
0x55: {  	_ =	shalt  }
0x56: {  	_ =	shalt  }
0x57: {  	_ =	shalt  }
0x58: {  	_ =	shalt  }
0x59: {  	_ =	shalt  }
0x5a: {  	_ =	shalt  }
0x5b: {  	_ =	shalt  }
0x5c: {  	_ =	shalt  }
0x5d: {  	_ =	shalt  }
0x5e: {  	_ =	shalt  }
0x5f: {  	_ =	shalt  }
0x60: {  	_ =	shalt  }
0x61: {  	_ =	shalt  }
0x62: {  	_ =	shalt  }
0x63: {  	_ =	shalt  }
0x64: {  	_ =	shalt  }
0x65: {  	_ =	shalt  }
0x66: {  	_ =	shalt  }
0x67: {  	_ =	shalt  }
0x68: {  	_ =	shalt  }
0x69: {  	_ =	shalt  }
0x6a: {  	_ =	shalt  }
0x6b: {  	_ =	shalt  }
0x6c: {  	_ =	shalt  }
0x6d: {  	_ =	shalt  }
0x6e: {  	_ =	shalt  }
0x6f: {  	_ =	shalt  }
0x70: {  	_ =	shalt  }
0x71: {  	_ =	shalt  }
0x72: {  	_ =	shalt  }
0x73: {  	_ =	shalt  }
0x74: {  	_ =	shalt  }
0x75: {  	_ =	shalt  }
0x76: {  	_ =	shalt  }
0x77: {  	_ =	shalt  }
0x78: {  	_ =	shalt  }
0x79: {  	_ =	shalt  }
0x7a: {  	_ =	shalt  }
0x7b: {  	_ =	shalt  }
0x7c: {  	_ =	shalt  }
0x7d: {  	_ =	shalt  }
0x7e: {  	_ =	shalt  }
0x7f: {  	_ =	shalt  }
0x80: {  	_ =	shalt  }
0x81: {  	_ =	shalt  }
0x82: {  	_ =	shalt  }
0x83: {  	_ =	shalt  }
0x84: {  	_ =	shalt  }
0x85: {  	_ =	shalt  }
0x86: {  	_ =	shalt  }
0x87: {  	_ =	shalt  }
.Lfunc_end0:
.L_simem_size_0:
called_computation_lowered:
.L_overlay_start_0:
0x88: {  	s2 =	sld [smem:$0x3FD9]  }
0x89: {  	s3 =	sld [smem:$0x3FFE];
	_ =	sdelay $0x1  }
0x8a: {  	s1 =	srdreg.scid  }
0x8b: {  	s0 =	sand.u32 $0x1, s1  }
0x8c: {  	s17 =	sshll.u32 s0, $0xA;
	s2 =	sadd.s32 s3, s2  }
0x8d: {  	s2 =	sadd.s32 s2, s17  }
0x8e: {  	[smem:$0x3FC6] =	sst s2  }
0x8f: {  	_ = 	snop  }
0x90: {  	s2 =	sld [smem:$0x3FC8]  }
0x91: {  	s18 =	sld [smem:$0x3FD0];
	(tm) =	ssettm $0x1  }
0x92: {  	s4 =	sld [smem:$0x3FFB];
	_ =	sdelay $0x3  }
0x93: {  	_ =	strace s4  }
0x94: {  	s4 =	sld [smem:$0x3FFC];
	_ =	sdelay $0x3  }
0x95: {  	_ =	strace s4  }
0x96: {  	s4 =	sld [smem:$0x3FFD];
	_ =	sdelay $0x3  }
0x97: {  	_ =	strace s4  }
0x98: {  	_ =	strace $0x8FFFFFFF  }
0x99: {  	s19 =	sld [smem:$0x3FDB];
	_ =	sdelay $0x1  }
0x9a: {  	s5 =	simm.s32 $_scs_section_size  }
0x9b: {  	s6 =	simm.s32 $_size__tile_overlayer_lowered;
	s7 =	simm.s32 $_tile_overlayer_lowered  }
0x9c: {  	s22 =	simm.s32 $0x1BFF;
	s21 =	sshll.u32 s7, $0x1;
	s4 =	sadd.s32 s5, s19  }
0x9d: {  	s8 =	simm.s32 $0x0;
	s20 =	sshll.u32 s6, $0x1;
	s6 =	sadd.s32 s21, s4  }
0x9e: {  	[timem:s8], [sflag:s22] =	dma.local [hbm:s6], s20  }
0x9f: {  	_ =	swait.ge [sflag:s22], s20  }
0xa0: {  	s5 =	ssub.s32 $0x0, s20;
	[sflag:s22] =	ssyncset.done $0x0  }
0xa1: {  	[sflag:s22] =	ssyncadd.s32 s5;
	_ =	sdelay $0x1  }
0xa2: {  	s23 =	simm.s32 $0x1B8B  }
0xa3: {  	_ =	swait.ge [sflag:s23], $0x1  }
0xa4: {  	[sflag:s23] =	ssyncset.done $0x0  }
0xa5: {  	s25 =	simm.s32 $0x1B8E;
	s24 =	sld [smem:$0x3FFE];
	[sflag:s23] =	ssyncadd.s32 $0xFFFFFFFF  }
0xa6: {  	s26 =	simm.s32 $execute0_lowered;
	[smem:$0x3FD2] =	sst s25  }
0xa7: {  	s6 =	sshll.u32 s26, $0x1;
	_ =	strace $0x80000046;
	[dreg:$0x1] =	wrdreg $0xFFFFFFFF  }
0xa8: {  	s28 =	simm.s32 $_size_execute0_lowered;
	s4 =	sadd.s32 s4, s6;
	[dreg:$0x0] =	wrdreg $0x0  }
0xa9: {  	s6 =	sshll.u32 s28, $0x1;
	[dreg:$0x2] =	wrdreg s4  }
0xaa: {  	[dreg:$0x3] =	wrdreg s6  }
0xab: {  	[dreg:$0x4] =	wrdreg $0xC0  }
0xac: {  	_ =	task [dreg:s8], $0x5FFFF  }
0xad: {  	[dreg:$0x1] =	wrdreg $0xFFFFFFFF  }
0xae: {  	[dreg:$0x0] =	wrdreg $0x60  }
0xaf: {  	[dreg:$0x2] =	wrdreg s24  }
0xb0: {  	[dreg:$0x3] =	wrdreg s2  }
0xb1: {  	[dreg:$0x4] =	wrdreg s18  }
0xb2: {  	[dreg:$0x5] =	wrdreg $0x9  }
0xb3: {  	_ =	task.clear_ibuf [dreg:s8], $0x6FFFF;
	_ =	strace $0x90000046  }
0xb4: {  	s29 =	simm.s32 $0x9;
	_ =	strace $0x80000048  }
0xb5: {  	_ =	swait.ge [sflag:s29], $0x1  }
0xb6: {  	[sflag:s29] =	ssyncadd.s32 $0xFFFFFFFF  }
0xb7: {  	_ =	strace $0x90000048  }
0xb8: {  	_ =	sfence  }
0xb9: {  	s30 =	sld [smem:$0x0];
	_ =	sdelay $0x2  }
0xba: {  	s31 =	sshll.u32 s1, $0xD;
	s1 =	sshrl.u32 s1, $0x2  }
0xbb: {  	s3 =	sand.u32 $0x4000, s31;
	s1 =	sadd.s32 s1, s30  }
0xbc: {  	s0 =	sor.u32 s3, s0;
	s1 =	sshll.u32 s1, $0x11  }
0xbd: {  	s0 =	sor.u32 s1, s0  }
0xbe: {  	s0 =	sadd.s32 $0x8F2B, s0  }
0xbf: {  	[sflag:s0] =	ssyncadd.remote.s32 $0x1  }
0xc0: {  	_ =	sfence.sel $0xFFFF  }
0xc1: {  	[dreg:$0x0] =	wrdreg $0xFFFFFFFF;
	(pc) =	sbr.abs _section_cstart, $3  }
0xc2: {  	[dreg:$0x1] =	wrdreg $0xFFFFFFFF  }
0xc3: {  	_ =	task.clear_ibuf [dreg:s8], $0x2FFFF;
	_ =	strace $0x9FFFFFFF  }
0xc4: {  	(tm) =	ssettm $0x7FFFFFFF  }
0xc5: {  	_ =	shalt  }
tec
execute0_lowered:
.L_overlay_start_1:
0x0: {  	(tag) =	ssettag $0x1  }
0x1: {  	s0 =	rddreg [dreg:$0x0]  }
0x2: {  	s1 =	srdreg.scid;
	s3 =	stileid.u32  }
0x3: {  	s2 =	rddreg [dreg:$0x1];
	s1 =	sand.u32 $0x1, s1;
	s3 =	sshll.u32 s3, $0x1  }
0x4: {  	s4 =	rddreg [dreg:$0x2];
	s5 =	sor.u32 s1, s3  }
0x5: {  	s31 =	simm.s32 $0x400;
	s3 =	simm.s32 $0x0;
	s6 =	sshll.u32 s5, $0x8  }
0x6: {  	[smem:$0x7FF] =	sst s3;
	s12 =	smul.u32 $0x18000, s5;
	s0 =	sadd.s32 s6, s0  }
0x7: {  	_ =	strace $0x80000047;
	[dreg:$0x15] =	wrdreg s31;
	s7 =	sadd.s32 $0x400, s0  }
0x8: {  	s0 =	sadd.s32 $0x480, s0;
	[dreg:$0x4] =	wrdreg s7  }
0x9: {  	s6 =	sadd.s32 s4, s12;
	[dreg:$0x5] =	wrdreg s0  }
0xa: {  	s13 =	sadd.s32 $0x1800, s6;
	[dreg:$0x16] =	wrdreg s6  }
0xb: {  	s5 =	smul.u32 $0xC0000, s5;
	s14 =	sadd.s32 $0x3000, s6;
	[dreg:$0x6] =	wrdreg s13  }
0xc: {  	s15 =	sadd.s32 $0x4800, s6;
	[dreg:$0x7] =	wrdreg s14  }
0xd: {  	s5 =	sshrl.u32 s5, $0x3;
	s16 =	sadd.s32 $0x6000, s6;
	[dreg:$0x8] =	wrdreg s15  }
0xe: {  	s17 =	sadd.s32 $0x7800, s6;
	s4 =	sadd.s32 s4, s5;
	[dreg:$0x9] =	wrdreg s16  }
0xf: {  	[dreg:$0xa] =	wrdreg s17;
	s18 =	sadd.s32 $0x9000, s4  }
0x10: {  	s8 =	simm.s32 $0x3;
	s19 =	sadd.s32 $0xA800, s4;
	[dreg:$0xb] =	wrdreg s18  }
0x11: {  	s28 =	simm.s32 $0x800;
	s20 =	sadd.s32 $0xC000, s4;
	[dreg:$0xc] =	wrdreg s19  }
0x12: {  	s10 =	simm.s32 $0x1;
	s21 =	sadd.s32 $0xD800, s4;
	[dreg:$0xd] =	wrdreg s20  }
0x13: {  	s11 =	simm.s32 $0x2;
	s22 =	sadd.s32 $0xF000, s4;
	[dreg:$0xe] =	wrdreg s21  }
0x14: {  	s1 =	ssub.s32 $0x2, s1;
	s23 =	sadd.s32 $0x10800, s4;
	[dreg:$0xf] =	wrdreg s22  }
0x15: {  	s26 =	sshrl.u32 s1, $0x1;
	s24 =	sadd.s32 $0x12000, s4;
	[dreg:$0x10] =	wrdreg s23  }
0x16: {  	s1 =	ssub.s32 s1, s26;
	s25 =	sadd.s32 $0x13800, s4;
	[dreg:$0x11] =	wrdreg s24  }
0x17: {  	v2 =	vlaneseq.u32;
	s1 =	smax.u32 s1, $0x1;
	s29 =	sadd.s32 $0x15000, s4;
	[dreg:$0x12] =	wrdreg s25  }
0x18: {  	vm0 =	vmmov $0xffff;
	v1 =	vshrl.u32 v2, $0x3;
	s5 =	sadd.s32 $0x100, s2;
	s30 =	sadd.s32 $0x16800, s4;
	[dreg:$0x13] =	wrdreg s29  }
0x19: {  	v0 =	vand.u32 $0x7, v2;
	v2 =	vor.u32 $0x8, v2;
	v1 =	vmul.u32 $0x8, v1;
	s6 =	sadd.s32 $0x200, s2;
	s4 =	simm.s32 $0xC800;
	[dreg:$0x14] =	wrdreg s30  }
.LBB2_1:
0x1a: {  	[dreg:$0x17] =	wrdreg s1  }
0x1b: {  	s12 =	rddreg [dreg:$0x4]  }
0x1c: {  	[tilespmem:s3], [sflag:$0x3] =	stream.linear.gather [hbm4b:s12+s3], $0x400, $0x38;
	[tilespmem:$0x18800] =	vst v63  }
0x1d: {  	_ =	swait.ge [sflag:s8], $0x400  }
0x1e: {  	[sflag:s8] =	ssyncset.done $0x0  }
0x1f: {  	[sflag:s8] =	ssyncadd.s32 $0xFFFFFC00  }
0x20: {  	v3 =	vld [tilespmem:$0x0];
	_ =	sdelay $0x4  }
0x21: {  	v4 =	vshrl.u32 v3, $0x3  }
0x22: {  	v4 =	vmul.u32 $0x30, v4  }
0x23: {  	v3 =	vand.u32 $0x7, v3  }
0x24: {  	v3 =	vor.u32 v3, v4  }
0x25: {  	v4 =	vperm.xlane v3, v0;
	_ =	sdelay $0x1  }
0x26: {  	v4 =	vadd.s32 v1, v4;
	_ =	sdelay $0x3  }
0x27: {  	v3 =	vperm.xlane v3, v2  }
0x28: {  	[tilespmem:s28], [sflag:$0x1] =	stream.indirect_vreg.gather [hbm4b:s2+s3], $0x80, v4, vm0, $0xb8;
	[tilespmem:$0x18800] =	vst v63  }
0x29: {  	s0 =	simm.s32 $0x1000;
	v3 =	vadd.s32 v1, v3  }
0x2a: {  	[tilespmem:s0], [sflag:$0x1] =	stream.indirect_vreg.gather [hbm4b:s5+s3], $0x80, v4, vm0, $0xb8;
	[tilespmem:$0x18800] =	vst v63  }
0x2b: {  	s25 =	simm.s32 $0x1800  }
0x2c: {  	[tilespmem:s25], [sflag:$0x1] =	stream.indirect_vreg.gather [hbm4b:s6+s3], $0x80, v4, vm0, $0xb8;
	[tilespmem:$0x18800] =	vst v63  }
0x2d: {  	s26 =	simm.s32 $0x2000  }
0x2e: {  	[tilespmem:s26], [sflag:$0x1] =	stream.indirect_vreg.gather [hbm4b:s2+s3], $0x80, v3, vm0, $0xb8;
	[tilespmem:$0x18800] =	vst v63  }
0x2f: {  	s29 =	simm.s32 $0x2800  }
0x30: {  	[tilespmem:s29], [sflag:$0x1] =	stream.indirect_vreg.gather [hbm4b:s5+s3], $0x80, v3, vm0, $0xb8;
	[tilespmem:$0x18800] =	vst v63  }
0x31: {  	s30 =	simm.s32 $0x3000  }
0x32: {  	[tilespmem:s30], [sflag:$0x1] =	stream.indirect_vreg.gather [hbm4b:s6+s3], $0x80, v3, vm0, $0xb8;
	[tilespmem:$0x18800] =	vst v63  }
0x33: {  	v3 =	vld [tilespmem:$0x10];
	_ =	sdelay $0x4  }
0x34: {  	v57 =	vshrl.u32 v3, $0x3  }
0x35: {  	v4 =	vmul.u32 $0x30, v57  }
0x36: {  	v3 =	vand.u32 $0x7, v3  }
0x37: {  	v3 =	vor.u32 v3, v4  }
0x38: {  	v4 =	vperm.xlane v3, v0;
	_ =	sdelay $0x1  }
0x39: {  	v4 =	vadd.s32 v1, v4;
	_ =	sdelay $0x3  }
0x3a: {  	s31 =	simm.s32 $0x3800;
	v3 =	vperm.xlane v3, v2  }
0x3b: {  	[tilespmem:s31], [sflag:$0x1] =	stream.indirect_vreg.gather [hbm4b:s2+s3], $0x80, v4, vm0, $0xb8;
	[tilespmem:$0x18800] =	vst v63  }
0x3c: {  	s1 =	simm.s32 $0x4000;
	v3 =	vadd.s32 v1, v3  }
0x3d: {  	[tilespmem:s1], [sflag:$0x1] =	stream.indirect_vreg.gather [hbm4b:s5+s3], $0x80, v4, vm0, $0xb8;
	[tilespmem:$0x18800] =	vst v63  }
0x3e: {  	s7 =	simm.s32 $0x4800  }
0x3f: {  	[tilespmem:s7], [sflag:$0x1] =	stream.indirect_vreg.gather [hbm4b:s6+s3], $0x80, v4, vm0, $0xb8;
	[tilespmem:$0x18800] =	vst v63  }
0x40: {  	s9 =	simm.s32 $0x5000  }
0x41: {  	[tilespmem:s9], [sflag:$0x1] =	stream.indirect_vreg.gather [hbm4b:s2+s3], $0x80, v3, vm0, $0xb8;
	[tilespmem:$0x18800] =	vst v63  }
0x42: {  	s12 =	simm.s32 $0x5800  }
0x43: {  	[tilespmem:s12], [sflag:$0x1] =	stream.indirect_vreg.gather [hbm4b:s5+s3], $0x80, v3, vm0, $0xb8;
	[tilespmem:$0x18800] =	vst v63  }
0x44: {  	s13 =	simm.s32 $0x6000  }
0x45: {  	[tilespmem:s13], [sflag:$0x1] =	stream.indirect_vreg.gather [hbm4b:s6+s3], $0x80, v3, vm0, $0xb8;
	[tilespmem:$0x18800] =	vst v63  }
0x46: {  	v3 =	vld [tilespmem:$0x20];
	_ =	sdelay $0x4  }
0x47: {  	v58 =	vshrl.u32 v3, $0x3  }
0x48: {  	v4 =	vmul.u32 $0x30, v58  }
0x49: {  	v3 =	vand.u32 $0x7, v3  }
0x4a: {  	v3 =	vor.u32 v3, v4  }
0x4b: {  	v4 =	vperm.xlane v3, v0;
	_ =	sdelay $0x1  }
0x4c: {  	v4 =	vadd.s32 v1, v4;
	_ =	sdelay $0x3  }
0x4d: {  	s14 =	simm.s32 $0x6800;
	v3 =	vperm.xlane v3, v2  }
0x4e: {  	[tilespmem:s14], [sflag:$0x1] =	stream.indirect_vreg.gather [hbm4b:s2+s3], $0x80, v4, vm0, $0xb8;
	[tilespmem:$0x18800] =	vst v63  }
0x4f: {  	s17 =	simm.s32 $0x7000;
	v3 =	vadd.s32 v1, v3  }
0x50: {  	[tilespmem:s17], [sflag:$0x1] =	stream.indirect_vreg.gather [hbm4b:s5+s3], $0x80, v4, vm0, $0xb8;
	[tilespmem:$0x18800] =	vst v63  }
0x51: {  	s18 =	simm.s32 $0x7800  }
0x52: {  	[tilespmem:s18], [sflag:$0x1] =	stream.indirect_vreg.gather [hbm4b:s6+s3], $0x80, v4, vm0, $0xb8;
	[tilespmem:$0x18800] =	vst v63  }
0x53: {  	s21 =	simm.s32 $0x8000  }
0x54: {  	[tilespmem:s21], [sflag:$0x1] =	stream.indirect_vreg.gather [hbm4b:s2+s3], $0x80, v3, vm0, $0xb8;
	[tilespmem:$0x18800] =	vst v63  }
0x55: {  	s22 =	simm.s32 $0x8800  }
0x56: {  	[tilespmem:s22], [sflag:$0x1] =	stream.indirect_vreg.gather [hbm4b:s5+s3], $0x80, v3, vm0, $0xb8;
	[tilespmem:$0x18800] =	vst v63  }
0x57: {  	s23 =	simm.s32 $0x9000  }
0x58: {  	[tilespmem:s23], [sflag:$0x1] =	stream.indirect_vreg.gather [hbm4b:s6+s3], $0x80, v3, vm0, $0xb8;
	[tilespmem:$0x18800] =	vst v63  }
0x59: {  	v3 =	vld [tilespmem:$0x30];
	_ =	sdelay $0x4  }
0x5a: {  	v59 =	vshrl.u32 v3, $0x3  }
0x5b: {  	v4 =	vmul.u32 $0x30, v59  }
0x5c: {  	v3 =	vand.u32 $0x7, v3  }
0x5d: {  	v3 =	vor.u32 v3, v4  }
0x5e: {  	v4 =	vperm.xlane v3, v0;
	_ =	sdelay $0x1  }
0x5f: {  	v4 =	vadd.s32 v1, v4;
	_ =	sdelay $0x3  }
0x60: {  	s24 =	simm.s32 $0x9800;
	v3 =	vperm.xlane v3, v2  }
0x61: {  	[tilespmem:s24], [sflag:$0x1] =	stream.indirect_vreg.gather [hbm4b:s2+s3], $0x80, v4, vm0, $0xb8;
	[tilespmem:$0x18800] =	vst v63  }
0x62: {  	s25 =	simm.s32 $0xA000;
	v3 =	vadd.s32 v1, v3  }
0x63: {  	[tilespmem:s25], [sflag:$0x1] =	stream.indirect_vreg.gather [hbm4b:s5+s3], $0x80, v4, vm0, $0xb8;
	[tilespmem:$0x18800] =	vst v63  }
0x64: {  	s26 =	simm.s32 $0xA800  }
0x65: {  	[tilespmem:s26], [sflag:$0x1] =	stream.indirect_vreg.gather [hbm4b:s6+s3], $0x80, v4, vm0, $0xb8;
	[tilespmem:$0x18800] =	vst v63  }
0x66: {  	s29 =	simm.s32 $0xB000  }
0x67: {  	[tilespmem:s29], [sflag:$0x1] =	stream.indirect_vreg.gather [hbm4b:s2+s3], $0x80, v3, vm0, $0xb8;
	[tilespmem:$0x18800] =	vst v63  }
0x68: {  	s30 =	simm.s32 $0xB800  }
0x69: {  	[tilespmem:s30], [sflag:$0x1] =	stream.indirect_vreg.gather [hbm4b:s5+s3], $0x80, v3, vm0, $0xb8;
	[tilespmem:$0x18800] =	vst v63  }
0x6a: {  	s31 =	rddreg [dreg:$0x5];
	s1 =	simm.s32 $0xC000  }
0x6b: {  	[tilespmem:s1], [sflag:$0x1] =	stream.indirect_vreg.gather [hbm4b:s6+s3], $0x80, v3, vm0, $0xb8;
	[tilespmem:$0x18800] =	vst v63  }
0x6c: {  	s13 =	rddreg [dreg:$0x15]  }
0x6d: {  	[tilespmem:s13], [sflag:$0x3] =	stream.linear.gather [hbm4b:s31+s3], $0x400, $0x38;
	[tilespmem:$0x18800] =	vst v63  }
0x6e: {  	_ =	swait.ge [sflag:s8], $0x400  }
0x6f: {  	[sflag:s8] =	ssyncset.done $0x0  }
0x70: {  	[sflag:s8] =	ssyncadd.s32 $0xFFFFFC00  }
0x71: {  	v3 =	vld [tilespmem:$0x80];
	_ =	sdelay $0x4  }
0x72: {  	v60 =	vshrl.u32 v3, $0x3  }
0x73: {  	v4 =	vmul.u32 $0x30, v60  }
0x74: {  	v3 =	vand.u32 $0x7, v3  }
0x75: {  	v3 =	vor.u32 v3, v4  }
0x76: {  	v4 =	vperm.xlane v3, v0;
	_ =	sdelay $0x1  }
0x77: {  	v4 =	vadd.s32 v1, v4;
	_ =	sdelay $0x3  }
0x78: {  	v3 =	vperm.xlane v3, v2  }
0x79: {  	[tilespmem:s4], [sflag:$0x2] =	stream.indirect_vreg.gather [hbm4b:s2+s3], $0x80, v4, vm0, $0xb8;
	[tilespmem:$0x18800] =	vst v63  }
0x7a: {  	s7 =	simm.s32 $0xD000;
	v3 =	vadd.s32 v1, v3  }
0x7b: {  	[tilespmem:s7], [sflag:$0x2] =	stream.indirect_vreg.gather [hbm4b:s5+s3], $0x80, v4, vm0, $0xb8;
	[tilespmem:$0x18800] =	vst v63  }
0x7c: {  	s9 =	simm.s32 $0xD800  }
0x7d: {  	[tilespmem:s9], [sflag:$0x2] =	stream.indirect_vreg.gather [hbm4b:s6+s3], $0x80, v4, vm0, $0xb8;
	[tilespmem:$0x18800] =	vst v63  }
0x7e: {  	s13 =	simm.s32 $0xE000  }
0x7f: {  	[tilespmem:s13], [sflag:$0x2] =	stream.indirect_vreg.gather [hbm4b:s2+s3], $0x80, v3, vm0, $0xb8;
	[tilespmem:$0x18800] =	vst v63  }
0x80: {  	s14 =	simm.s32 $0xE800  }
0x81: {  	[tilespmem:s14], [sflag:$0x2] =	stream.indirect_vreg.gather [hbm4b:s5+s3], $0x80, v3, vm0, $0xb8;
	[tilespmem:$0x18800] =	vst v63  }
0x82: {  	s17 =	simm.s32 $0xF000  }
0x83: {  	[tilespmem:s17], [sflag:$0x2] =	stream.indirect_vreg.gather [hbm4b:s6+s3], $0x80, v3, vm0, $0xb8;
	[tilespmem:$0x18800] =	vst v63  }
0x84: {  	v3 =	vld [tilespmem:$0x90];
	_ =	sdelay $0x4  }
0x85: {  	v61 =	vshrl.u32 v3, $0x3  }
0x86: {  	v4 =	vmul.u32 $0x30, v61  }
0x87: {  	v3 =	vand.u32 $0x7, v3  }
0x88: {  	v3 =	vor.u32 v3, v4  }
0x89: {  	v4 =	vperm.xlane v3, v0;
	_ =	sdelay $0x1  }
0x8a: {  	v4 =	vadd.s32 v1, v4;
	_ =	sdelay $0x3  }
0x8b: {  	s18 =	simm.s32 $0xF800;
	v3 =	vperm.xlane v3, v2  }
0x8c: {  	[tilespmem:s18], [sflag:$0x2] =	stream.indirect_vreg.gather [hbm4b:s2+s3], $0x80, v4, vm0, $0xb8;
	[tilespmem:$0x18800] =	vst v63  }
0x8d: {  	s21 =	simm.s32 $0x10000;
	v3 =	vadd.s32 v1, v3  }
0x8e: {  	[tilespmem:s21], [sflag:$0x2] =	stream.indirect_vreg.gather [hbm4b:s5+s3], $0x80, v4, vm0, $0xb8;
	[tilespmem:$0x18800] =	vst v63  }
0x8f: {  	s22 =	simm.s32 $0x10800  }
0x90: {  	[tilespmem:s22], [sflag:$0x2] =	stream.indirect_vreg.gather [hbm4b:s6+s3], $0x80, v4, vm0, $0xb8;
	[tilespmem:$0x18800] =	vst v63  }
0x91: {  	s25 =	simm.s32 $0x11000  }
0x92: {  	[tilespmem:s25], [sflag:$0x2] =	stream.indirect_vreg.gather [hbm4b:s2+s3], $0x80, v3, vm0, $0xb8;
	[tilespmem:$0x18800] =	vst v63  }
0x93: {  	s26 =	simm.s32 $0x11800  }
0x94: {  	[tilespmem:s26], [sflag:$0x2] =	stream.indirect_vreg.gather [hbm4b:s5+s3], $0x80, v3, vm0, $0xb8;
	[tilespmem:$0x18800] =	vst v63  }
0x95: {  	s30 =	simm.s32 $0x12000  }
0x96: {  	[tilespmem:s30], [sflag:$0x2] =	stream.indirect_vreg.gather [hbm4b:s6+s3], $0x80, v3, vm0, $0xb8;
	[tilespmem:$0x18800] =	vst v63  }
0x97: {  	v3 =	vld [tilespmem:$0xA0];
	_ =	sdelay $0x4  }
0x98: {  	v62 =	vshrl.u32 v3, $0x3  }
0x99: {  	v4 =	vmul.u32 $0x30, v62  }
0x9a: {  	v3 =	vand.u32 $0x7, v3  }
0x9b: {  	v3 =	vor.u32 v3, v4  }
0x9c: {  	v4 =	vperm.xlane v3, v0;
	_ =	sdelay $0x1  }
0x9d: {  	v4 =	vadd.s32 v1, v4;
	_ =	sdelay $0x3  }
0x9e: {  	s31 =	simm.s32 $0x12800;
	v3 =	vperm.xlane v3, v2  }
0x9f: {  	[tilespmem:s31], [sflag:$0x2] =	stream.indirect_vreg.gather [hbm4b:s2+s3], $0x80, v4, vm0, $0xb8;
	[tilespmem:$0x18800] =	vst v63  }
0xa0: {  	s0 =	simm.s32 $0x13000;
	v3 =	vadd.s32 v1, v3  }
0xa1: {  	[tilespmem:s0], [sflag:$0x2] =	stream.indirect_vreg.gather [hbm4b:s5+s3], $0x80, v4, vm0, $0xb8;
	[tilespmem:$0x18800] =	vst v63  }
0xa2: {  	s1 =	simm.s32 $0x13800  }
0xa3: {  	[tilespmem:s1], [sflag:$0x2] =	stream.indirect_vreg.gather [hbm4b:s6+s3], $0x80, v4, vm0, $0xb8;
	[tilespmem:$0x18800] =	vst v63  }
0xa4: {  	s7 =	simm.s32 $0x14000  }
0xa5: {  	[tilespmem:s7], [sflag:$0x2] =	stream.indirect_vreg.gather [hbm4b:s2+s3], $0x80, v3, vm0, $0xb8;
	[tilespmem:$0x18800] =	vst v63  }
0xa6: {  	s9 =	simm.s32 $0x14800  }
0xa7: {  	[tilespmem:s9], [sflag:$0x2] =	stream.indirect_vreg.gather [hbm4b:s5+s3], $0x80, v3, vm0, $0xb8;
	[tilespmem:$0x18800] =	vst v63  }
0xa8: {  	s13 =	simm.s32 $0x15000  }
0xa9: {  	[tilespmem:s13], [sflag:$0x2] =	stream.indirect_vreg.gather [hbm4b:s6+s3], $0x80, v3, vm0, $0xb8;
	[tilespmem:$0x18800] =	vst v63  }
0xaa: {  	v3 =	vld [tilespmem:$0xB0];
	_ =	sdelay $0x4  }
0xab: {  	v63 =	vshrl.u32 v3, $0x3  }
0xac: {  	v4 =	vmul.u32 $0x30, v63  }
0xad: {  	v3 =	vand.u32 $0x7, v3  }
0xae: {  	v3 =	vor.u32 v3, v4  }
0xaf: {  	v4 =	vperm.xlane v3, v0;
	_ =	sdelay $0x1  }
0xb0: {  	v4 =	vadd.s32 v1, v4;
	_ =	sdelay $0x3  }
0xb1: {  	s14 =	simm.s32 $0x15800;
	v3 =	vperm.xlane v3, v2  }
0xb2: {  	[tilespmem:s14], [sflag:$0x2] =	stream.indirect_vreg.gather [hbm4b:s2+s3], $0x80, v4, vm0, $0xb8;
	[tilespmem:$0x18800] =	vst v63  }
0xb3: {  	s17 =	simm.s32 $0x16000;
	v3 =	vadd.s32 v1, v3  }
0xb4: {  	[tilespmem:s17], [sflag:$0x2] =	stream.indirect_vreg.gather [hbm4b:s5+s3], $0x80, v4, vm0, $0xb8;
	[tilespmem:$0x18800] =	vst v63  }
0xb5: {  	s18 =	simm.s32 $0x16800  }
0xb6: {  	[tilespmem:s18], [sflag:$0x2] =	stream.indirect_vreg.gather [hbm4b:s6+s3], $0x80, v4, vm0, $0xb8;
	[tilespmem:$0x18800] =	vst v63  }
0xb7: {  	s21 =	simm.s32 $0x17000  }
0xb8: {  	[tilespmem:s21], [sflag:$0x2] =	stream.indirect_vreg.gather [hbm4b:s2+s3], $0x80, v3, vm0, $0xb8;
	[tilespmem:$0x18800] =	vst v63  }
0xb9: {  	s22 =	simm.s32 $0x17800  }
0xba: {  	[tilespmem:s22], [sflag:$0x2] =	stream.indirect_vreg.gather [hbm4b:s5+s3], $0x80, v3, vm0, $0xb8;
	[tilespmem:$0x18800] =	vst v63  }
0xbb: {  	s25 =	simm.s32 $0x18000  }
0xbc: {  	[tilespmem:s25], [sflag:$0x2] =	stream.indirect_vreg.gather [hbm4b:s6+s3], $0x80, v3, vm0, $0xb8;
	[tilespmem:$0x18800] =	vst v63  }
0xbd: {  	_ =	swait.ge [sflag:s10], $0xC000  }
0xbe: {  	[sflag:s10] =	ssyncset.done $0x0  }
0xbf: {  	s26 =	rddreg [dreg:$0x16];
	[sflag:s10] =	ssyncadd.s32 $0xFFFF4000  }
0xc0: {  	[hbm4b:s26+s3] =	stream.linear.scatter [tilespmem:s28], [sflag:$0x3], $0xC000, $0x38;
	[tilespmem:$0x18800] =	vst v63  }
0xc1: {  	_ =	swait.ge [sflag:s8], $0xC000  }
0xc2: {  	[sflag:s8] =	ssyncset.done $0x0  }
0xc3: {  	[sflag:s8] =	ssyncadd.s32 $0xFFFF4000  }
0xc4: {  	v3 =	vld [tilespmem:$0x100];
	_ =	sdelay $0x4  }
0xc5: {  	v8 =	vshrl.u32 v3, $0x3  }
0xc6: {  	v4 =	vmul.u32 $0x30, v8  }
0xc7: {  	v3 =	vand.u32 $0x7, v3  }
0xc8: {  	v3 =	vor.u32 v3, v4  }
0xc9: {  	v4 =	vperm.xlane v3, v0;
	_ =	sdelay $0x1  }
0xca: {  	v4 =	vadd.s32 v1, v4;
	_ =	sdelay $0x3  }
0xcb: {  	v3 =	vperm.xlane v3, v2  }
0xcc: {  	[tilespmem:s28], [sflag:$0x1] =	stream.indirect_vreg.gather [hbm4b:s2+s3], $0x80, v4, vm0, $0xb8;
	[tilespmem:$0x18800] =	vst v63  }
0xcd: {  	s0 =	simm.s32 $0x1000;
	v3 =	vadd.s32 v1, v3  }
0xce: {  	[tilespmem:s0], [sflag:$0x1] =	stream.indirect_vreg.gather [hbm4b:s5+s3], $0x80, v4, vm0, $0xb8;
	[tilespmem:$0x18800] =	vst v63  }
0xcf: {  	s1 =	simm.s32 $0x1800  }
0xd0: {  	[tilespmem:s1], [sflag:$0x1] =	stream.indirect_vreg.gather [hbm4b:s6+s3], $0x80, v4, vm0, $0xb8;
	[tilespmem:$0x18800] =	vst v63  }
0xd1: {  	s9 =	simm.s32 $0x2000  }
0xd2: {  	[tilespmem:s9], [sflag:$0x1] =	stream.indirect_vreg.gather [hbm4b:s2+s3], $0x80, v3, vm0, $0xb8;
	[tilespmem:$0x18800] =	vst v63  }
0xd3: {  	s14 =	simm.s32 $0x2800  }
0xd4: {  	[tilespmem:s14], [sflag:$0x1] =	stream.indirect_vreg.gather [hbm4b:s5+s3], $0x80, v3, vm0, $0xb8;
	[tilespmem:$0x18800] =	vst v63  }
0xd5: {  	s15 =	simm.s32 $0x3000  }
0xd6: {  	[tilespmem:s15], [sflag:$0x1] =	stream.indirect_vreg.gather [hbm4b:s6+s3], $0x80, v3, vm0, $0xb8;
	[tilespmem:$0x18800] =	vst v63  }
0xd7: {  	v3 =	vld [tilespmem:$0x110];
	_ =	sdelay $0x4  }
0xd8: {  	v9 =	vshrl.u32 v3, $0x3  }
0xd9: {  	v4 =	vmul.u32 $0x30, v9  }
0xda: {  	v3 =	vand.u32 $0x7, v3  }
0xdb: {  	v3 =	vor.u32 v3, v4  }
0xdc: {  	v4 =	vperm.xlane v3, v0;
	_ =	sdelay $0x1  }
0xdd: {  	v4 =	vadd.s32 v1, v4;
	_ =	sdelay $0x3  }
0xde: {  	s16 =	simm.s32 $0x3800;
	v3 =	vperm.xlane v3, v2  }
0xdf: {  	[tilespmem:s16], [sflag:$0x1] =	stream.indirect_vreg.gather [hbm4b:s2+s3], $0x80, v4, vm0, $0xb8;
	[tilespmem:$0x18800] =	vst v63  }
0xe0: {  	s15 =	simm.s32 $0x4000;
	v3 =	vadd.s32 v1, v3  }
0xe1: {  	[tilespmem:s15], [sflag:$0x1] =	stream.indirect_vreg.gather [hbm4b:s5+s3], $0x80, v4, vm0, $0xb8;
	[tilespmem:$0x18800] =	vst v63  }
0xe2: {  	s16 =	simm.s32 $0x4800  }
0xe3: {  	[tilespmem:s16], [sflag:$0x1] =	stream.indirect_vreg.gather [hbm4b:s6+s3], $0x80, v4, vm0, $0xb8;
	[tilespmem:$0x18800] =	vst v63  }
0xe4: {  	s17 =	simm.s32 $0x5000  }
0xe5: {  	[tilespmem:s17], [sflag:$0x1] =	stream.indirect_vreg.gather [hbm4b:s2+s3], $0x80, v3, vm0, $0xb8;
	[tilespmem:$0x18800] =	vst v63  }
0xe6: {  	s18 =	simm.s32 $0x5800  }
0xe7: {  	[tilespmem:s18], [sflag:$0x1] =	stream.indirect_vreg.gather [hbm4b:s5+s3], $0x80, v3, vm0, $0xb8;
	[tilespmem:$0x18800] =	vst v63  }
0xe8: {  	s19 =	simm.s32 $0x6000  }
0xe9: {  	[tilespmem:s19], [sflag:$0x1] =	stream.indirect_vreg.gather [hbm4b:s6+s3], $0x80, v3, vm0, $0xb8;
	[tilespmem:$0x18800] =	vst v63  }
0xea: {  	v3 =	vld [tilespmem:$0x120];
	_ =	sdelay $0x4  }
0xeb: {  	v10 =	vshrl.u32 v3, $0x3  }
0xec: {  	v4 =	vmul.u32 $0x30, v10  }
0xed: {  	v3 =	vand.u32 $0x7, v3  }
0xee: {  	v3 =	vor.u32 v3, v4  }
0xef: {  	v4 =	vperm.xlane v3, v0;
	_ =	sdelay $0x1  }
0xf0: {  	v4 =	vadd.s32 v1, v4;
	_ =	sdelay $0x3  }
0xf1: {  	s20 =	simm.s32 $0x6800;
	v3 =	vperm.xlane v3, v2  }
0xf2: {  	[tilespmem:s20], [sflag:$0x1] =	stream.indirect_vreg.gather [hbm4b:s2+s3], $0x80, v4, vm0, $0xb8;
	[tilespmem:$0x18800] =	vst v63  }
0xf3: {  	s19 =	simm.s32 $0x7000;
	v3 =	vadd.s32 v1, v3  }
0xf4: {  	[tilespmem:s19], [sflag:$0x1] =	stream.indirect_vreg.gather [hbm4b:s5+s3], $0x80, v4, vm0, $0xb8;
	[tilespmem:$0x18800] =	vst v63  }
0xf5: {  	s20 =	simm.s32 $0x7800  }
0xf6: {  	[tilespmem:s20], [sflag:$0x1] =	stream.indirect_vreg.gather [hbm4b:s6+s3], $0x80, v4, vm0, $0xb8;
	[tilespmem:$0x18800] =	vst v63  }
0xf7: {  	s21 =	simm.s32 $0x8000  }
0xf8: {  	[tilespmem:s21], [sflag:$0x1] =	stream.indirect_vreg.gather [hbm4b:s2+s3], $0x80, v3, vm0, $0xb8;
	[tilespmem:$0x18800] =	vst v63  }
0xf9: {  	s22 =	simm.s32 $0x8800  }
0xfa: {  	[tilespmem:s22], [sflag:$0x1] =	stream.indirect_vreg.gather [hbm4b:s5+s3], $0x80, v3, vm0, $0xb8;
	[tilespmem:$0x18800] =	vst v63  }
0xfb: {  	s23 =	simm.s32 $0x9000  }
0xfc: {  	[tilespmem:s23], [sflag:$0x1] =	stream.indirect_vreg.gather [hbm4b:s6+s3], $0x80, v3, vm0, $0xb8;
	[tilespmem:$0x18800] =	vst v63  }
0xfd: {  	v3 =	vld [tilespmem:$0x130];
	_ =	sdelay $0x4  }
0xfe: {  	v11 =	vshrl.u32 v3, $0x3  }
0xff: {  	v4 =	vmul.u32 $0x30, v11  }
0x100: {  	v3 =	vand.u32 $0x7, v3  }
0x101: {  	v3 =	vor.u32 v3, v4  }
0x102: {  	v4 =	vperm.xlane v3, v0;
	_ =	sdelay $0x1  }
0x103: {  	v4 =	vadd.s32 v1, v4;
	_ =	sdelay $0x3  }
0x104: {  	s24 =	simm.s32 $0x9800;
	v3 =	vperm.xlane v3, v2  }
0x105: {  	[tilespmem:s24], [sflag:$0x1] =	stream.indirect_vreg.gather [hbm4b:s2+s3], $0x80, v4, vm0, $0xb8;
	[tilespmem:$0x18800] =	vst v63  }
0x106: {  	s23 =	simm.s32 $0xA000;
	v3 =	vadd.s32 v1, v3  }
0x107: {  	[tilespmem:s23], [sflag:$0x1] =	stream.indirect_vreg.gather [hbm4b:s5+s3], $0x80, v4, vm0, $0xb8;
	[tilespmem:$0x18800] =	vst v63  }
0x108: {  	s24 =	simm.s32 $0xA800  }
0x109: {  	[tilespmem:s24], [sflag:$0x1] =	stream.indirect_vreg.gather [hbm4b:s6+s3], $0x80, v4, vm0, $0xb8;
	[tilespmem:$0x18800] =	vst v63  }
0x10a: {  	s25 =	simm.s32 $0xB000  }
0x10b: {  	[tilespmem:s25], [sflag:$0x1] =	stream.indirect_vreg.gather [hbm4b:s2+s3], $0x80, v3, vm0, $0xb8;
	[tilespmem:$0x18800] =	vst v63  }
0x10c: {  	s7 =	simm.s32 $0xB800  }
0x10d: {  	[tilespmem:s7], [sflag:$0x1] =	stream.indirect_vreg.gather [hbm4b:s5+s3], $0x80, v3, vm0, $0xb8;
	[tilespmem:$0x18800] =	vst v63  }
0x10e: {  	s26 =	simm.s32 $0xC000  }
0x10f: {  	[tilespmem:s26], [sflag:$0x1] =	stream.indirect_vreg.gather [hbm4b:s6+s3], $0x80, v3, vm0, $0xb8;
	[tilespmem:$0x18800] =	vst v63  }
0x110: {  	_ =	swait.ge [sflag:s11], $0xC000  }
0x111: {  	[sflag:s11] =	ssyncset.done $0x0  }
0x112: {  	s12 =	rddreg [dreg:$0x6];
	[sflag:s11] =	ssyncadd.s32 $0xFFFF4000  }
0x113: {  	[hbm4b:s12+s3] =	stream.linear.scatter [tilespmem:s4], [sflag:$0x3], $0xC000, $0x38;
	[tilespmem:$0x18800] =	vst v63  }
0x114: {  	_ =	swait.ge [sflag:s8], $0xC000  }
0x115: {  	[sflag:s8] =	ssyncset.done $0x0  }
0x116: {  	[sflag:s8] =	ssyncadd.s32 $0xFFFF4000  }
0x117: {  	v3 =	vld [tilespmem:$0x180];
	_ =	sdelay $0x4  }
0x118: {  	v12 =	vshrl.u32 v3, $0x3  }
0x119: {  	v4 =	vmul.u32 $0x30, v12  }
0x11a: {  	v3 =	vand.u32 $0x7, v3  }
0x11b: {  	v3 =	vor.u32 v3, v4  }
0x11c: {  	v4 =	vperm.xlane v3, v0;
	_ =	sdelay $0x1  }
0x11d: {  	v4 =	vadd.s32 v1, v4;
	_ =	sdelay $0x3  }
0x11e: {  	v3 =	vperm.xlane v3, v2  }
0x11f: {  	[tilespmem:s4], [sflag:$0x2] =	stream.indirect_vreg.gather [hbm4b:s2+s3], $0x80, v4, vm0, $0xb8;
	[tilespmem:$0x18800] =	vst v63  }
0x120: {  	s12 =	simm.s32 $0xD000;
	v3 =	vadd.s32 v1, v3  }
0x121: {  	[tilespmem:s12], [sflag:$0x2] =	stream.indirect_vreg.gather [hbm4b:s5+s3], $0x80, v4, vm0, $0xb8;
	[tilespmem:$0x18800] =	vst v63  }
0x122: {  	s12 =	simm.s32 $0xD800  }
0x123: {  	[tilespmem:s12], [sflag:$0x2] =	stream.indirect_vreg.gather [hbm4b:s6+s3], $0x80, v4, vm0, $0xb8;
	[tilespmem:$0x18800] =	vst v63  }
0x124: {  	s12 =	simm.s32 $0xE000  }
0x125: {  	[tilespmem:s12], [sflag:$0x2] =	stream.indirect_vreg.gather [hbm4b:s2+s3], $0x80, v3, vm0, $0xb8;
	[tilespmem:$0x18800] =	vst v63  }
0x126: {  	s12 =	simm.s32 $0xE800  }
0x127: {  	[tilespmem:s12], [sflag:$0x2] =	stream.indirect_vreg.gather [hbm4b:s5+s3], $0x80, v3, vm0, $0xb8;
	[tilespmem:$0x18800] =	vst v63  }
0x128: {  	s12 =	simm.s32 $0xF000  }
0x129: {  	[tilespmem:s12], [sflag:$0x2] =	stream.indirect_vreg.gather [hbm4b:s6+s3], $0x80, v3, vm0, $0xb8;
	[tilespmem:$0x18800] =	vst v63  }
0x12a: {  	v3 =	vld [tilespmem:$0x190];
	_ =	sdelay $0x4  }
0x12b: {  	v13 =	vshrl.u32 v3, $0x3  }
0x12c: {  	v4 =	vmul.u32 $0x30, v13  }
0x12d: {  	v3 =	vand.u32 $0x7, v3  }
0x12e: {  	v3 =	vor.u32 v3, v4  }
0x12f: {  	v4 =	vperm.xlane v3, v0;
	_ =	sdelay $0x1  }
0x130: {  	v4 =	vadd.s32 v1, v4;
	_ =	sdelay $0x3  }
0x131: {  	s29 =	simm.s32 $0xF800;
	v3 =	vperm.xlane v3, v2  }
0x132: {  	[tilespmem:s29], [sflag:$0x2] =	stream.indirect_vreg.gather [hbm4b:s2+s3], $0x80, v4, vm0, $0xb8;
	[tilespmem:$0x18800] =	vst v63  }
0x133: {  	v3 =	vadd.s32 v1, v3;
	s29 =	simm.s32 $0x10000  }
0x134: {  	[tilespmem:s29], [sflag:$0x2] =	stream.indirect_vreg.gather [hbm4b:s5+s3], $0x80, v4, vm0, $0xb8;
	[tilespmem:$0x18800] =	vst v63  }
0x135: {  	s12 =	simm.s32 $0x10800  }
0x136: {  	[tilespmem:s12], [sflag:$0x2] =	stream.indirect_vreg.gather [hbm4b:s6+s3], $0x80, v4, vm0, $0xb8;
	[tilespmem:$0x18800] =	vst v63  }
0x137: {  	s12 =	simm.s32 $0x11000  }
0x138: {  	[tilespmem:s12], [sflag:$0x2] =	stream.indirect_vreg.gather [hbm4b:s2+s3], $0x80, v3, vm0, $0xb8;
	[tilespmem:$0x18800] =	vst v63  }
0x139: {  	s12 =	simm.s32 $0x11800  }
0x13a: {  	[tilespmem:s12], [sflag:$0x2] =	stream.indirect_vreg.gather [hbm4b:s5+s3], $0x80, v3, vm0, $0xb8;
	[tilespmem:$0x18800] =	vst v63  }
0x13b: {  	s30 =	simm.s32 $0x12000  }
0x13c: {  	[tilespmem:s30], [sflag:$0x2] =	stream.indirect_vreg.gather [hbm4b:s6+s3], $0x80, v3, vm0, $0xb8;
	[tilespmem:$0x18800] =	vst v63  }
0x13d: {  	v3 =	vld [tilespmem:$0x1A0];
	_ =	sdelay $0x4  }
0x13e: {  	v14 =	vshrl.u32 v3, $0x3  }
0x13f: {  	v4 =	vmul.u32 $0x30, v14  }
0x140: {  	v3 =	vand.u32 $0x7, v3  }
0x141: {  	v3 =	vor.u32 v3, v4  }
0x142: {  	v4 =	vperm.xlane v3, v0;
	_ =	sdelay $0x1  }
0x143: {  	v4 =	vadd.s32 v1, v4;
	_ =	sdelay $0x3  }
0x144: {  	s31 =	simm.s32 $0x12800;
	v3 =	vperm.xlane v3, v2  }
0x145: {  	[tilespmem:s31], [sflag:$0x2] =	stream.indirect_vreg.gather [hbm4b:s2+s3], $0x80, v4, vm0, $0xb8;
	[tilespmem:$0x18800] =	vst v63  }
0x146: {  	s30 =	simm.s32 $0x13000;
	v3 =	vadd.s32 v1, v3  }
0x147: {  	[tilespmem:s30], [sflag:$0x2] =	stream.indirect_vreg.gather [hbm4b:s5+s3], $0x80, v4, vm0, $0xb8;
	[tilespmem:$0x18800] =	vst v63  }
0x148: {  	s31 =	simm.s32 $0x13800  }
0x149: {  	[tilespmem:s31], [sflag:$0x2] =	stream.indirect_vreg.gather [hbm4b:s6+s3], $0x80, v4, vm0, $0xb8;
	[tilespmem:$0x18800] =	vst v63  }
0x14a: {  	s12 =	simm.s32 $0x14000  }
0x14b: {  	[tilespmem:s12], [sflag:$0x2] =	stream.indirect_vreg.gather [hbm4b:s2+s3], $0x80, v3, vm0, $0xb8;
	[tilespmem:$0x18800] =	vst v63  }
0x14c: {  	s12 =	simm.s32 $0x14800  }
0x14d: {  	[tilespmem:s12], [sflag:$0x2] =	stream.indirect_vreg.gather [hbm4b:s5+s3], $0x80, v3, vm0, $0xb8;
	[tilespmem:$0x18800] =	vst v63  }
0x14e: {  	s12 =	simm.s32 $0x15000  }
0x14f: {  	[tilespmem:s12], [sflag:$0x2] =	stream.indirect_vreg.gather [hbm4b:s6+s3], $0x80, v3, vm0, $0xb8;
	[tilespmem:$0x18800] =	vst v63  }
0x150: {  	v3 =	vld [tilespmem:$0x1B0];
	_ =	sdelay $0x4  }
0x151: {  	v15 =	vshrl.u32 v3, $0x3  }
0x152: {  	v4 =	vmul.u32 $0x30, v15  }
0x153: {  	v3 =	vand.u32 $0x7, v3  }
0x154: {  	v3 =	vor.u32 v3, v4  }
0x155: {  	v4 =	vperm.xlane v3, v0;
	_ =	sdelay $0x1  }
0x156: {  	v4 =	vadd.s32 v1, v4;
	_ =	sdelay $0x3  }
0x157: {  	s12 =	simm.s32 $0x15800;
	v3 =	vperm.xlane v3, v2  }
0x158: {  	[tilespmem:s12], [sflag:$0x2] =	stream.indirect_vreg.gather [hbm4b:s2+s3], $0x80, v4, vm0, $0xb8;
	[tilespmem:$0x18800] =	vst v63  }
0x159: {  	v3 =	vadd.s32 v1, v3;
	s12 =	simm.s32 $0x16000  }
0x15a: {  	[tilespmem:s12], [sflag:$0x2] =	stream.indirect_vreg.gather [hbm4b:s5+s3], $0x80, v4, vm0, $0xb8;
	[tilespmem:$0x18800] =	vst v63  }
0x15b: {  	s12 =	simm.s32 $0x16800  }
0x15c: {  	[tilespmem:s12], [sflag:$0x2] =	stream.indirect_vreg.gather [hbm4b:s6+s3], $0x80, v4, vm0, $0xb8;
	[tilespmem:$0x18800] =	vst v63  }
0x15d: {  	s12 =	simm.s32 $0x17000  }
0x15e: {  	[tilespmem:s12], [sflag:$0x2] =	stream.indirect_vreg.gather [hbm4b:s2+s3], $0x80, v3, vm0, $0xb8;
	[tilespmem:$0x18800] =	vst v63  }
0x15f: {  	s12 =	simm.s32 $0x17800  }
0x160: {  	[tilespmem:s12], [sflag:$0x2] =	stream.indirect_vreg.gather [hbm4b:s5+s3], $0x80, v3, vm0, $0xb8;
	[tilespmem:$0x18800] =	vst v63  }
0x161: {  	s13 =	simm.s32 $0x18000  }
0x162: {  	[tilespmem:s13], [sflag:$0x2] =	stream.indirect_vreg.gather [hbm4b:s6+s3], $0x80, v3, vm0, $0xb8;
	[tilespmem:$0x18800] =	vst v63  }
0x163: {  	_ =	swait.ge [sflag:s10], $0xC000  }
0x164: {  	[sflag:s10] =	ssyncset.done $0x0  }
0x165: {  	s12 =	rddreg [dreg:$0x7];
	[sflag:s10] =	ssyncadd.s32 $0xFFFF4000  }
0x166: {  	[hbm4b:s12+s3] =	stream.linear.scatter [tilespmem:s28], [sflag:$0x3], $0xC000, $0x38;
	[tilespmem:$0x18800] =	vst v63  }
0x167: {  	_ =	swait.ge [sflag:s8], $0xC000  }
0x168: {  	[sflag:s8] =	ssyncset.done $0x0  }
0x169: {  	[sflag:s8] =	ssyncadd.s32 $0xFFFF4000  }
0x16a: {  	v3 =	vld [tilespmem:$0x200];
	_ =	sdelay $0x4  }
0x16b: {  	v16 =	vshrl.u32 v3, $0x3  }
0x16c: {  	v4 =	vmul.u32 $0x30, v16  }
0x16d: {  	v3 =	vand.u32 $0x7, v3  }
0x16e: {  	v3 =	vor.u32 v3, v4  }
0x16f: {  	v4 =	vperm.xlane v3, v0;
	_ =	sdelay $0x1  }
0x170: {  	v4 =	vadd.s32 v1, v4;
	_ =	sdelay $0x3  }
0x171: {  	v3 =	vperm.xlane v3, v2  }
0x172: {  	[tilespmem:s28], [sflag:$0x1] =	stream.indirect_vreg.gather [hbm4b:s2+s3], $0x80, v4, vm0, $0xb8;
	[tilespmem:$0x18800] =	vst v63  }
0x173: {  	v3 =	vadd.s32 v1, v3  }
0x174: {  	[tilespmem:s0], [sflag:$0x1] =	stream.indirect_vreg.gather [hbm4b:s5+s3], $0x80, v4, vm0, $0xb8;
	[tilespmem:$0x18800] =	vst v63  }
0x175: {  	_ = 	snop  }
0x176: {  	[tilespmem:s1], [sflag:$0x1] =	stream.indirect_vreg.gather [hbm4b:s6+s3], $0x80, v4, vm0, $0xb8;
	[tilespmem:$0x18800] =	vst v63  }
0x177: {  	_ = 	snop  }
0x178: {  	[tilespmem:s9], [sflag:$0x1] =	stream.indirect_vreg.gather [hbm4b:s2+s3], $0x80, v3, vm0, $0xb8;
	[tilespmem:$0x18800] =	vst v63  }
0x179: {  	_ = 	snop  }
0x17a: {  	[tilespmem:s14], [sflag:$0x1] =	stream.indirect_vreg.gather [hbm4b:s5+s3], $0x80, v3, vm0, $0xb8;
	[tilespmem:$0x18800] =	vst v63  }
0x17b: {  	s12 =	simm.s32 $0x3000  }
0x17c: {  	[tilespmem:s12], [sflag:$0x1] =	stream.indirect_vreg.gather [hbm4b:s6+s3], $0x80, v3, vm0, $0xb8;
	[tilespmem:$0x18800] =	vst v63  }
0x17d: {  	v3 =	vld [tilespmem:$0x210];
	_ =	sdelay $0x4  }
0x17e: {  	v17 =	vshrl.u32 v3, $0x3  }
0x17f: {  	v4 =	vmul.u32 $0x30, v17  }
0x180: {  	v3 =	vand.u32 $0x7, v3  }
0x181: {  	v3 =	vor.u32 v3, v4  }
0x182: {  	v4 =	vperm.xlane v3, v0;
	_ =	sdelay $0x1  }
0x183: {  	v4 =	vadd.s32 v1, v4;
	_ =	sdelay $0x3  }
0x184: {  	s12 =	simm.s32 $0x3800;
	v3 =	vperm.xlane v3, v2  }
0x185: {  	[tilespmem:s12], [sflag:$0x1] =	stream.indirect_vreg.gather [hbm4b:s2+s3], $0x80, v4, vm0, $0xb8;
	[tilespmem:$0x18800] =	vst v63  }
0x186: {  	v3 =	vadd.s32 v1, v3  }
0x187: {  	[tilespmem:s15], [sflag:$0x1] =	stream.indirect_vreg.gather [hbm4b:s5+s3], $0x80, v4, vm0, $0xb8;
	[tilespmem:$0x18800] =	vst v63  }
0x188: {  	_ = 	snop  }
0x189: {  	[tilespmem:s16], [sflag:$0x1] =	stream.indirect_vreg.gather [hbm4b:s6+s3], $0x80, v4, vm0, $0xb8;
	[tilespmem:$0x18800] =	vst v63  }
0x18a: {  	_ = 	snop  }
0x18b: {  	[tilespmem:s17], [sflag:$0x1] =	stream.indirect_vreg.gather [hbm4b:s2+s3], $0x80, v3, vm0, $0xb8;
	[tilespmem:$0x18800] =	vst v63  }
0x18c: {  	_ = 	snop  }
0x18d: {  	[tilespmem:s18], [sflag:$0x1] =	stream.indirect_vreg.gather [hbm4b:s5+s3], $0x80, v3, vm0, $0xb8;
	[tilespmem:$0x18800] =	vst v63  }
0x18e: {  	s12 =	simm.s32 $0x6000  }
0x18f: {  	[tilespmem:s12], [sflag:$0x1] =	stream.indirect_vreg.gather [hbm4b:s6+s3], $0x80, v3, vm0, $0xb8;
	[tilespmem:$0x18800] =	vst v63  }
0x190: {  	v3 =	vld [tilespmem:$0x220];
	_ =	sdelay $0x4  }
0x191: {  	v18 =	vshrl.u32 v3, $0x3  }
0x192: {  	v4 =	vmul.u32 $0x30, v18  }
0x193: {  	v3 =	vand.u32 $0x7, v3  }
0x194: {  	v3 =	vor.u32 v3, v4  }
0x195: {  	v4 =	vperm.xlane v3, v0;
	_ =	sdelay $0x1  }
0x196: {  	v4 =	vadd.s32 v1, v4;
	_ =	sdelay $0x3  }
0x197: {  	s12 =	simm.s32 $0x6800;
	v3 =	vperm.xlane v3, v2  }
0x198: {  	[tilespmem:s12], [sflag:$0x1] =	stream.indirect_vreg.gather [hbm4b:s2+s3], $0x80, v4, vm0, $0xb8;
	[tilespmem:$0x18800] =	vst v63  }
0x199: {  	v3 =	vadd.s32 v1, v3  }
0x19a: {  	[tilespmem:s19], [sflag:$0x1] =	stream.indirect_vreg.gather [hbm4b:s5+s3], $0x80, v4, vm0, $0xb8;
	[tilespmem:$0x18800] =	vst v63  }
0x19b: {  	_ = 	snop  }
0x19c: {  	[tilespmem:s20], [sflag:$0x1] =	stream.indirect_vreg.gather [hbm4b:s6+s3], $0x80, v4, vm0, $0xb8;
	[tilespmem:$0x18800] =	vst v63  }
0x19d: {  	_ = 	snop  }
0x19e: {  	[tilespmem:s21], [sflag:$0x1] =	stream.indirect_vreg.gather [hbm4b:s2+s3], $0x80, v3, vm0, $0xb8;
	[tilespmem:$0x18800] =	vst v63  }
0x19f: {  	_ = 	snop  }
0x1a0: {  	[tilespmem:s22], [sflag:$0x1] =	stream.indirect_vreg.gather [hbm4b:s5+s3], $0x80, v3, vm0, $0xb8;
	[tilespmem:$0x18800] =	vst v63  }
0x1a1: {  	s12 =	simm.s32 $0x9000  }
0x1a2: {  	[tilespmem:s12], [sflag:$0x1] =	stream.indirect_vreg.gather [hbm4b:s6+s3], $0x80, v3, vm0, $0xb8;
	[tilespmem:$0x18800] =	vst v63  }
0x1a3: {  	v3 =	vld [tilespmem:$0x230];
	_ =	sdelay $0x4  }
0x1a4: {  	v19 =	vshrl.u32 v3, $0x3  }
0x1a5: {  	v4 =	vmul.u32 $0x30, v19  }
0x1a6: {  	v3 =	vand.u32 $0x7, v3  }
0x1a7: {  	v3 =	vor.u32 v3, v4  }
0x1a8: {  	v4 =	vperm.xlane v3, v0;
	_ =	sdelay $0x1  }
0x1a9: {  	v4 =	vadd.s32 v1, v4;
	_ =	sdelay $0x3  }
0x1aa: {  	s12 =	simm.s32 $0x9800;
	v3 =	vperm.xlane v3, v2  }
0x1ab: {  	[tilespmem:s12], [sflag:$0x1] =	stream.indirect_vreg.gather [hbm4b:s2+s3], $0x80, v4, vm0, $0xb8;
	[tilespmem:$0x18800] =	vst v63  }
0x1ac: {  	v3 =	vadd.s32 v1, v3  }
0x1ad: {  	[tilespmem:s23], [sflag:$0x1] =	stream.indirect_vreg.gather [hbm4b:s5+s3], $0x80, v4, vm0, $0xb8;
	[tilespmem:$0x18800] =	vst v63  }
0x1ae: {  	_ = 	snop  }
0x1af: {  	[tilespmem:s24], [sflag:$0x1] =	stream.indirect_vreg.gather [hbm4b:s6+s3], $0x80, v4, vm0, $0xb8;
	[tilespmem:$0x18800] =	vst v63  }
0x1b0: {  	_ = 	snop  }
0x1b1: {  	[tilespmem:s25], [sflag:$0x1] =	stream.indirect_vreg.gather [hbm4b:s2+s3], $0x80, v3, vm0, $0xb8;
	[tilespmem:$0x18800] =	vst v63  }
0x1b2: {  	_ = 	snop  }
0x1b3: {  	[tilespmem:s7], [sflag:$0x1] =	stream.indirect_vreg.gather [hbm4b:s5+s3], $0x80, v3, vm0, $0xb8;
	[tilespmem:$0x18800] =	vst v63  }
0x1b4: {  	_ = 	snop  }
0x1b5: {  	[tilespmem:s26], [sflag:$0x1] =	stream.indirect_vreg.gather [hbm4b:s6+s3], $0x80, v3, vm0, $0xb8;
	[tilespmem:$0x18800] =	vst v63  }
0x1b6: {  	_ =	swait.ge [sflag:s11], $0xC000  }
0x1b7: {  	[sflag:s11] =	ssyncset.done $0x0  }
0x1b8: {  	s12 =	rddreg [dreg:$0x8];
	[sflag:s11] =	ssyncadd.s32 $0xFFFF4000  }
0x1b9: {  	[hbm4b:s12+s3] =	stream.linear.scatter [tilespmem:s4], [sflag:$0x3], $0xC000, $0x38;
	[tilespmem:$0x18800] =	vst v63  }
0x1ba: {  	_ =	swait.ge [sflag:s8], $0xC000  }
0x1bb: {  	[sflag:s8] =	ssyncset.done $0x0  }
0x1bc: {  	[sflag:s8] =	ssyncadd.s32 $0xFFFF4000  }
0x1bd: {  	v3 =	vld [tilespmem:$0x280];
	_ =	sdelay $0x4  }
0x1be: {  	v20 =	vshrl.u32 v3, $0x3  }
0x1bf: {  	v4 =	vmul.u32 $0x30, v20  }
0x1c0: {  	v3 =	vand.u32 $0x7, v3  }
0x1c1: {  	v3 =	vor.u32 v3, v4  }
0x1c2: {  	v4 =	vperm.xlane v3, v0;
	_ =	sdelay $0x1  }
0x1c3: {  	v4 =	vadd.s32 v1, v4;
	_ =	sdelay $0x3  }
0x1c4: {  	v3 =	vperm.xlane v3, v2  }
0x1c5: {  	[tilespmem:s4], [sflag:$0x2] =	stream.indirect_vreg.gather [hbm4b:s2+s3], $0x80, v4, vm0, $0xb8;
	[tilespmem:$0x18800] =	vst v63  }
0x1c6: {  	s12 =	simm.s32 $0xD000;
	v3 =	vadd.s32 v1, v3  }
0x1c7: {  	[tilespmem:s12], [sflag:$0x2] =	stream.indirect_vreg.gather [hbm4b:s5+s3], $0x80, v4, vm0, $0xb8;
	[tilespmem:$0x18800] =	vst v63  }
0x1c8: {  	s12 =	simm.s32 $0xD800  }
0x1c9: {  	[tilespmem:s12], [sflag:$0x2] =	stream.indirect_vreg.gather [hbm4b:s6+s3], $0x80, v4, vm0, $0xb8;
	[tilespmem:$0x18800] =	vst v63  }
0x1ca: {  	s12 =	simm.s32 $0xE000  }
0x1cb: {  	[tilespmem:s12], [sflag:$0x2] =	stream.indirect_vreg.gather [hbm4b:s2+s3], $0x80, v3, vm0, $0xb8;
	[tilespmem:$0x18800] =	vst v63  }
0x1cc: {  	s12 =	simm.s32 $0xE800  }
0x1cd: {  	[tilespmem:s12], [sflag:$0x2] =	stream.indirect_vreg.gather [hbm4b:s5+s3], $0x80, v3, vm0, $0xb8;
	[tilespmem:$0x18800] =	vst v63  }
0x1ce: {  	s12 =	simm.s32 $0xF000  }
0x1cf: {  	[tilespmem:s12], [sflag:$0x2] =	stream.indirect_vreg.gather [hbm4b:s6+s3], $0x80, v3, vm0, $0xb8;
	[tilespmem:$0x18800] =	vst v63  }
0x1d0: {  	v3 =	vld [tilespmem:$0x290];
	_ =	sdelay $0x4  }
0x1d1: {  	v21 =	vshrl.u32 v3, $0x3  }
0x1d2: {  	v4 =	vmul.u32 $0x30, v21  }
0x1d3: {  	v3 =	vand.u32 $0x7, v3  }
0x1d4: {  	v3 =	vor.u32 v3, v4  }
0x1d5: {  	v4 =	vperm.xlane v3, v0;
	_ =	sdelay $0x1  }
0x1d6: {  	v4 =	vadd.s32 v1, v4;
	_ =	sdelay $0x3  }
0x1d7: {  	s12 =	simm.s32 $0xF800;
	v3 =	vperm.xlane v3, v2  }
0x1d8: {  	[tilespmem:s12], [sflag:$0x2] =	stream.indirect_vreg.gather [hbm4b:s2+s3], $0x80, v4, vm0, $0xb8;
	[tilespmem:$0x18800] =	vst v63  }
0x1d9: {  	s29 =	simm.s32 $0x10000;
	v3 =	vadd.s32 v1, v3  }
0x1da: {  	[tilespmem:s29], [sflag:$0x2] =	stream.indirect_vreg.gather [hbm4b:s5+s3], $0x80, v4, vm0, $0xb8;
	[tilespmem:$0x18800] =	vst v63  }
0x1db: {  	s12 =	simm.s32 $0x10800  }
0x1dc: {  	[tilespmem:s12], [sflag:$0x2] =	stream.indirect_vreg.gather [hbm4b:s6+s3], $0x80, v4, vm0, $0xb8;
	[tilespmem:$0x18800] =	vst v63  }
0x1dd: {  	s12 =	simm.s32 $0x11000  }
0x1de: {  	[tilespmem:s12], [sflag:$0x2] =	stream.indirect_vreg.gather [hbm4b:s2+s3], $0x80, v3, vm0, $0xb8;
	[tilespmem:$0x18800] =	vst v63  }
0x1df: {  	s12 =	simm.s32 $0x11800  }
0x1e0: {  	[tilespmem:s12], [sflag:$0x2] =	stream.indirect_vreg.gather [hbm4b:s5+s3], $0x80, v3, vm0, $0xb8;
	[tilespmem:$0x18800] =	vst v63  }
0x1e1: {  	s12 =	simm.s32 $0x12000  }
0x1e2: {  	[tilespmem:s12], [sflag:$0x2] =	stream.indirect_vreg.gather [hbm4b:s6+s3], $0x80, v3, vm0, $0xb8;
	[tilespmem:$0x18800] =	vst v63  }
0x1e3: {  	v3 =	vld [tilespmem:$0x2A0];
	_ =	sdelay $0x4  }
0x1e4: {  	v22 =	vshrl.u32 v3, $0x3  }
0x1e5: {  	v4 =	vmul.u32 $0x30, v22  }
0x1e6: {  	v3 =	vand.u32 $0x7, v3  }
0x1e7: {  	v3 =	vor.u32 v3, v4  }
0x1e8: {  	v4 =	vperm.xlane v3, v0;
	_ =	sdelay $0x1  }
0x1e9: {  	v4 =	vadd.s32 v1, v4;
	_ =	sdelay $0x3  }
0x1ea: {  	s12 =	simm.s32 $0x12800;
	v3 =	vperm.xlane v3, v2  }
0x1eb: {  	[tilespmem:s12], [sflag:$0x2] =	stream.indirect_vreg.gather [hbm4b:s2+s3], $0x80, v4, vm0, $0xb8;
	[tilespmem:$0x18800] =	vst v63  }
0x1ec: {  	s30 =	simm.s32 $0x13000;
	v3 =	vadd.s32 v1, v3  }
0x1ed: {  	[tilespmem:s30], [sflag:$0x2] =	stream.indirect_vreg.gather [hbm4b:s5+s3], $0x80, v4, vm0, $0xb8;
	[tilespmem:$0x18800] =	vst v63  }
0x1ee: {  	s31 =	simm.s32 $0x13800  }
0x1ef: {  	[tilespmem:s31], [sflag:$0x2] =	stream.indirect_vreg.gather [hbm4b:s6+s3], $0x80, v4, vm0, $0xb8;
	[tilespmem:$0x18800] =	vst v63  }
0x1f0: {  	s12 =	simm.s32 $0x14000  }
0x1f1: {  	[tilespmem:s12], [sflag:$0x2] =	stream.indirect_vreg.gather [hbm4b:s2+s3], $0x80, v3, vm0, $0xb8;
	[tilespmem:$0x18800] =	vst v63  }
0x1f2: {  	s12 =	simm.s32 $0x14800  }
0x1f3: {  	[tilespmem:s12], [sflag:$0x2] =	stream.indirect_vreg.gather [hbm4b:s5+s3], $0x80, v3, vm0, $0xb8;
	[tilespmem:$0x18800] =	vst v63  }
0x1f4: {  	s12 =	simm.s32 $0x15000  }
0x1f5: {  	[tilespmem:s12], [sflag:$0x2] =	stream.indirect_vreg.gather [hbm4b:s6+s3], $0x80, v3, vm0, $0xb8;
	[tilespmem:$0x18800] =	vst v63  }
0x1f6: {  	v3 =	vld [tilespmem:$0x2B0];
	_ =	sdelay $0x4  }
0x1f7: {  	v23 =	vshrl.u32 v3, $0x3  }
0x1f8: {  	v4 =	vmul.u32 $0x30, v23  }
0x1f9: {  	v3 =	vand.u32 $0x7, v3  }
0x1fa: {  	v3 =	vor.u32 v3, v4  }
0x1fb: {  	v4 =	vperm.xlane v3, v0;
	_ =	sdelay $0x1  }
0x1fc: {  	v4 =	vadd.s32 v1, v4;
	_ =	sdelay $0x3  }
0x1fd: {  	s12 =	simm.s32 $0x15800;
	v3 =	vperm.xlane v3, v2  }
0x1fe: {  	[tilespmem:s12], [sflag:$0x2] =	stream.indirect_vreg.gather [hbm4b:s2+s3], $0x80, v4, vm0, $0xb8;
	[tilespmem:$0x18800] =	vst v63  }
0x1ff: {  	v3 =	vadd.s32 v1, v3;
	s12 =	simm.s32 $0x16000  }
0x200: {  	[tilespmem:s12], [sflag:$0x2] =	stream.indirect_vreg.gather [hbm4b:s5+s3], $0x80, v4, vm0, $0xb8;
	[tilespmem:$0x18800] =	vst v63  }
0x201: {  	s12 =	simm.s32 $0x16800  }
0x202: {  	[tilespmem:s12], [sflag:$0x2] =	stream.indirect_vreg.gather [hbm4b:s6+s3], $0x80, v4, vm0, $0xb8;
	[tilespmem:$0x18800] =	vst v63  }
0x203: {  	s12 =	simm.s32 $0x17000  }
0x204: {  	[tilespmem:s12], [sflag:$0x2] =	stream.indirect_vreg.gather [hbm4b:s2+s3], $0x80, v3, vm0, $0xb8;
	[tilespmem:$0x18800] =	vst v63  }
0x205: {  	s12 =	simm.s32 $0x17800  }
0x206: {  	[tilespmem:s12], [sflag:$0x2] =	stream.indirect_vreg.gather [hbm4b:s5+s3], $0x80, v3, vm0, $0xb8;
	[tilespmem:$0x18800] =	vst v63  }
0x207: {  	s13 =	simm.s32 $0x18000  }
0x208: {  	[tilespmem:s13], [sflag:$0x2] =	stream.indirect_vreg.gather [hbm4b:s6+s3], $0x80, v3, vm0, $0xb8;
	[tilespmem:$0x18800] =	vst v63  }
0x209: {  	_ =	swait.ge [sflag:s10], $0xC000  }
0x20a: {  	[sflag:s10] =	ssyncset.done $0x0  }
0x20b: {  	s12 =	rddreg [dreg:$0x9];
	[sflag:s10] =	ssyncadd.s32 $0xFFFF4000  }
0x20c: {  	[hbm4b:s12+s3] =	stream.linear.scatter [tilespmem:s28], [sflag:$0x3], $0xC000, $0x38;
	[tilespmem:$0x18800] =	vst v63  }
0x20d: {  	_ =	swait.ge [sflag:s8], $0xC000  }
0x20e: {  	[sflag:s8] =	ssyncset.done $0x0  }
0x20f: {  	[sflag:s8] =	ssyncadd.s32 $0xFFFF4000  }
0x210: {  	v3 =	vld [tilespmem:$0x300];
	_ =	sdelay $0x4  }
0x211: {  	v24 =	vshrl.u32 v3, $0x3  }
0x212: {  	v4 =	vmul.u32 $0x30, v24  }
0x213: {  	v3 =	vand.u32 $0x7, v3  }
0x214: {  	v3 =	vor.u32 v3, v4  }
0x215: {  	v4 =	vperm.xlane v3, v0;
	_ =	sdelay $0x1  }
0x216: {  	v4 =	vadd.s32 v1, v4;
	_ =	sdelay $0x3  }
0x217: {  	v3 =	vperm.xlane v3, v2  }
0x218: {  	[tilespmem:s28], [sflag:$0x1] =	stream.indirect_vreg.gather [hbm4b:s2+s3], $0x80, v4, vm0, $0xb8;
	[tilespmem:$0x18800] =	vst v63  }
0x219: {  	s0 =	simm.s32 $0x1000;
	v3 =	vadd.s32 v1, v3  }
0x21a: {  	[tilespmem:s0], [sflag:$0x1] =	stream.indirect_vreg.gather [hbm4b:s5+s3], $0x80, v4, vm0, $0xb8;
	[tilespmem:$0x18800] =	vst v63  }
0x21b: {  	s1 =	simm.s32 $0x1800  }
0x21c: {  	[tilespmem:s1], [sflag:$0x1] =	stream.indirect_vreg.gather [hbm4b:s6+s3], $0x80, v4, vm0, $0xb8;
	[tilespmem:$0x18800] =	vst v63  }
0x21d: {  	s9 =	simm.s32 $0x2000  }
0x21e: {  	[tilespmem:s9], [sflag:$0x1] =	stream.indirect_vreg.gather [hbm4b:s2+s3], $0x80, v3, vm0, $0xb8;
	[tilespmem:$0x18800] =	vst v63  }
0x21f: {  	s14 =	simm.s32 $0x2800  }
0x220: {  	[tilespmem:s14], [sflag:$0x1] =	stream.indirect_vreg.gather [hbm4b:s5+s3], $0x80, v3, vm0, $0xb8;
	[tilespmem:$0x18800] =	vst v63  }
0x221: {  	s12 =	simm.s32 $0x3000  }
0x222: {  	[tilespmem:s12], [sflag:$0x1] =	stream.indirect_vreg.gather [hbm4b:s6+s3], $0x80, v3, vm0, $0xb8;
	[tilespmem:$0x18800] =	vst v63  }
0x223: {  	v3 =	vld [tilespmem:$0x310];
	_ =	sdelay $0x4  }
0x224: {  	v25 =	vshrl.u32 v3, $0x3  }
0x225: {  	v4 =	vmul.u32 $0x30, v25  }
0x226: {  	v3 =	vand.u32 $0x7, v3  }
0x227: {  	v3 =	vor.u32 v3, v4  }
0x228: {  	v4 =	vperm.xlane v3, v0;
	_ =	sdelay $0x1  }
0x229: {  	v4 =	vadd.s32 v1, v4;
	_ =	sdelay $0x3  }
0x22a: {  	s12 =	simm.s32 $0x3800;
	v3 =	vperm.xlane v3, v2  }
0x22b: {  	[tilespmem:s12], [sflag:$0x1] =	stream.indirect_vreg.gather [hbm4b:s2+s3], $0x80, v4, vm0, $0xb8;
	[tilespmem:$0x18800] =	vst v63  }
0x22c: {  	s15 =	simm.s32 $0x4000;
	v3 =	vadd.s32 v1, v3  }
0x22d: {  	[tilespmem:s15], [sflag:$0x1] =	stream.indirect_vreg.gather [hbm4b:s5+s3], $0x80, v4, vm0, $0xb8;
	[tilespmem:$0x18800] =	vst v63  }
0x22e: {  	s16 =	simm.s32 $0x4800  }
0x22f: {  	[tilespmem:s16], [sflag:$0x1] =	stream.indirect_vreg.gather [hbm4b:s6+s3], $0x80, v4, vm0, $0xb8;
	[tilespmem:$0x18800] =	vst v63  }
0x230: {  	s17 =	simm.s32 $0x5000  }
0x231: {  	[tilespmem:s17], [sflag:$0x1] =	stream.indirect_vreg.gather [hbm4b:s2+s3], $0x80, v3, vm0, $0xb8;
	[tilespmem:$0x18800] =	vst v63  }
0x232: {  	s18 =	simm.s32 $0x5800  }
0x233: {  	[tilespmem:s18], [sflag:$0x1] =	stream.indirect_vreg.gather [hbm4b:s5+s3], $0x80, v3, vm0, $0xb8;
	[tilespmem:$0x18800] =	vst v63  }
0x234: {  	s12 =	simm.s32 $0x6000  }
0x235: {  	[tilespmem:s12], [sflag:$0x1] =	stream.indirect_vreg.gather [hbm4b:s6+s3], $0x80, v3, vm0, $0xb8;
	[tilespmem:$0x18800] =	vst v63  }
0x236: {  	v3 =	vld [tilespmem:$0x320];
	_ =	sdelay $0x4  }
0x237: {  	v26 =	vshrl.u32 v3, $0x3  }
0x238: {  	v4 =	vmul.u32 $0x30, v26  }
0x239: {  	v3 =	vand.u32 $0x7, v3  }
0x23a: {  	v3 =	vor.u32 v3, v4  }
0x23b: {  	v4 =	vperm.xlane v3, v0;
	_ =	sdelay $0x1  }
0x23c: {  	v4 =	vadd.s32 v1, v4;
	_ =	sdelay $0x3  }
0x23d: {  	s12 =	simm.s32 $0x6800;
	v3 =	vperm.xlane v3, v2  }
0x23e: {  	[tilespmem:s12], [sflag:$0x1] =	stream.indirect_vreg.gather [hbm4b:s2+s3], $0x80, v4, vm0, $0xb8;
	[tilespmem:$0x18800] =	vst v63  }
0x23f: {  	s19 =	simm.s32 $0x7000;
	v3 =	vadd.s32 v1, v3  }
0x240: {  	[tilespmem:s19], [sflag:$0x1] =	stream.indirect_vreg.gather [hbm4b:s5+s3], $0x80, v4, vm0, $0xb8;
	[tilespmem:$0x18800] =	vst v63  }
0x241: {  	s20 =	simm.s32 $0x7800  }
0x242: {  	[tilespmem:s20], [sflag:$0x1] =	stream.indirect_vreg.gather [hbm4b:s6+s3], $0x80, v4, vm0, $0xb8;
	[tilespmem:$0x18800] =	vst v63  }
0x243: {  	s21 =	simm.s32 $0x8000  }
0x244: {  	[tilespmem:s21], [sflag:$0x1] =	stream.indirect_vreg.gather [hbm4b:s2+s3], $0x80, v3, vm0, $0xb8;
	[tilespmem:$0x18800] =	vst v63  }
0x245: {  	s22 =	simm.s32 $0x8800  }
0x246: {  	[tilespmem:s22], [sflag:$0x1] =	stream.indirect_vreg.gather [hbm4b:s5+s3], $0x80, v3, vm0, $0xb8;
	[tilespmem:$0x18800] =	vst v63  }
0x247: {  	s12 =	simm.s32 $0x9000  }
0x248: {  	[tilespmem:s12], [sflag:$0x1] =	stream.indirect_vreg.gather [hbm4b:s6+s3], $0x80, v3, vm0, $0xb8;
	[tilespmem:$0x18800] =	vst v63  }
0x249: {  	v3 =	vld [tilespmem:$0x330];
	_ =	sdelay $0x4  }
0x24a: {  	v27 =	vshrl.u32 v3, $0x3  }
0x24b: {  	v4 =	vmul.u32 $0x30, v27  }
0x24c: {  	v3 =	vand.u32 $0x7, v3  }
0x24d: {  	v3 =	vor.u32 v3, v4  }
0x24e: {  	v4 =	vperm.xlane v3, v0;
	_ =	sdelay $0x1  }
0x24f: {  	v4 =	vadd.s32 v1, v4;
	_ =	sdelay $0x3  }
0x250: {  	s12 =	simm.s32 $0x9800;
	v3 =	vperm.xlane v3, v2  }
0x251: {  	[tilespmem:s12], [sflag:$0x1] =	stream.indirect_vreg.gather [hbm4b:s2+s3], $0x80, v4, vm0, $0xb8;
	[tilespmem:$0x18800] =	vst v63  }
0x252: {  	s23 =	simm.s32 $0xA000;
	v3 =	vadd.s32 v1, v3  }
0x253: {  	[tilespmem:s23], [sflag:$0x1] =	stream.indirect_vreg.gather [hbm4b:s5+s3], $0x80, v4, vm0, $0xb8;
	[tilespmem:$0x18800] =	vst v63  }
0x254: {  	s24 =	simm.s32 $0xA800  }
0x255: {  	[tilespmem:s24], [sflag:$0x1] =	stream.indirect_vreg.gather [hbm4b:s6+s3], $0x80, v4, vm0, $0xb8;
	[tilespmem:$0x18800] =	vst v63  }
0x256: {  	s25 =	simm.s32 $0xB000  }
0x257: {  	[tilespmem:s25], [sflag:$0x1] =	stream.indirect_vreg.gather [hbm4b:s2+s3], $0x80, v3, vm0, $0xb8;
	[tilespmem:$0x18800] =	vst v63  }
0x258: {  	s7 =	simm.s32 $0xB800  }
0x259: {  	[tilespmem:s7], [sflag:$0x1] =	stream.indirect_vreg.gather [hbm4b:s5+s3], $0x80, v3, vm0, $0xb8;
	[tilespmem:$0x18800] =	vst v63  }
0x25a: {  	s26 =	simm.s32 $0xC000  }
0x25b: {  	[tilespmem:s26], [sflag:$0x1] =	stream.indirect_vreg.gather [hbm4b:s6+s3], $0x80, v3, vm0, $0xb8;
	[tilespmem:$0x18800] =	vst v63  }
0x25c: {  	_ =	swait.ge [sflag:s11], $0xC000  }
0x25d: {  	[sflag:s11] =	ssyncset.done $0x0  }
0x25e: {  	s12 =	rddreg [dreg:$0xa];
	[sflag:s11] =	ssyncadd.s32 $0xFFFF4000  }
0x25f: {  	[hbm4b:s12+s3] =	stream.linear.scatter [tilespmem:s4], [sflag:$0x3], $0xC000, $0x38;
	[tilespmem:$0x18800] =	vst v63  }
0x260: {  	_ =	swait.ge [sflag:s8], $0xC000  }
0x261: {  	[sflag:s8] =	ssyncset.done $0x0  }
0x262: {  	[sflag:s8] =	ssyncadd.s32 $0xFFFF4000  }
0x263: {  	v3 =	vld [tilespmem:$0x380];
	_ =	sdelay $0x4  }
0x264: {  	v28 =	vshrl.u32 v3, $0x3  }
0x265: {  	v4 =	vmul.u32 $0x30, v28  }
0x266: {  	v3 =	vand.u32 $0x7, v3  }
0x267: {  	v3 =	vor.u32 v3, v4  }
0x268: {  	v4 =	vperm.xlane v3, v0;
	_ =	sdelay $0x1  }
0x269: {  	v4 =	vadd.s32 v1, v4;
	_ =	sdelay $0x3  }
0x26a: {  	v3 =	vperm.xlane v3, v2  }
0x26b: {  	[tilespmem:s4], [sflag:$0x2] =	stream.indirect_vreg.gather [hbm4b:s2+s3], $0x80, v4, vm0, $0xb8;
	[tilespmem:$0x18800] =	vst v63  }
0x26c: {  	s12 =	simm.s32 $0xD000;
	v3 =	vadd.s32 v1, v3  }
0x26d: {  	[tilespmem:s12], [sflag:$0x2] =	stream.indirect_vreg.gather [hbm4b:s5+s3], $0x80, v4, vm0, $0xb8;
	[tilespmem:$0x18800] =	vst v63  }
0x26e: {  	s12 =	simm.s32 $0xD800  }
0x26f: {  	[tilespmem:s12], [sflag:$0x2] =	stream.indirect_vreg.gather [hbm4b:s6+s3], $0x80, v4, vm0, $0xb8;
	[tilespmem:$0x18800] =	vst v63  }
0x270: {  	s12 =	simm.s32 $0xE000  }
0x271: {  	[tilespmem:s12], [sflag:$0x2] =	stream.indirect_vreg.gather [hbm4b:s2+s3], $0x80, v3, vm0, $0xb8;
	[tilespmem:$0x18800] =	vst v63  }
0x272: {  	s12 =	simm.s32 $0xE800  }
0x273: {  	[tilespmem:s12], [sflag:$0x2] =	stream.indirect_vreg.gather [hbm4b:s5+s3], $0x80, v3, vm0, $0xb8;
	[tilespmem:$0x18800] =	vst v63  }
0x274: {  	s12 =	simm.s32 $0xF000  }
0x275: {  	[tilespmem:s12], [sflag:$0x2] =	stream.indirect_vreg.gather [hbm4b:s6+s3], $0x80, v3, vm0, $0xb8;
	[tilespmem:$0x18800] =	vst v63  }
0x276: {  	v3 =	vld [tilespmem:$0x390];
	_ =	sdelay $0x4  }
0x277: {  	v29 =	vshrl.u32 v3, $0x3  }
0x278: {  	v4 =	vmul.u32 $0x30, v29  }
0x279: {  	v3 =	vand.u32 $0x7, v3  }
0x27a: {  	v3 =	vor.u32 v3, v4  }
0x27b: {  	v4 =	vperm.xlane v3, v0;
	_ =	sdelay $0x1  }
0x27c: {  	v4 =	vadd.s32 v1, v4;
	_ =	sdelay $0x3  }
0x27d: {  	s12 =	simm.s32 $0xF800;
	v3 =	vperm.xlane v3, v2  }
0x27e: {  	[tilespmem:s12], [sflag:$0x2] =	stream.indirect_vreg.gather [hbm4b:s2+s3], $0x80, v4, vm0, $0xb8;
	[tilespmem:$0x18800] =	vst v63  }
0x27f: {  	s29 =	simm.s32 $0x10000;
	v3 =	vadd.s32 v1, v3  }
0x280: {  	[tilespmem:s29], [sflag:$0x2] =	stream.indirect_vreg.gather [hbm4b:s5+s3], $0x80, v4, vm0, $0xb8;
	[tilespmem:$0x18800] =	vst v63  }
0x281: {  	s12 =	simm.s32 $0x10800  }
0x282: {  	[tilespmem:s12], [sflag:$0x2] =	stream.indirect_vreg.gather [hbm4b:s6+s3], $0x80, v4, vm0, $0xb8;
	[tilespmem:$0x18800] =	vst v63  }
0x283: {  	s12 =	simm.s32 $0x11000  }
0x284: {  	[tilespmem:s12], [sflag:$0x2] =	stream.indirect_vreg.gather [hbm4b:s2+s3], $0x80, v3, vm0, $0xb8;
	[tilespmem:$0x18800] =	vst v63  }
0x285: {  	s12 =	simm.s32 $0x11800  }
0x286: {  	[tilespmem:s12], [sflag:$0x2] =	stream.indirect_vreg.gather [hbm4b:s5+s3], $0x80, v3, vm0, $0xb8;
	[tilespmem:$0x18800] =	vst v63  }
0x287: {  	s12 =	simm.s32 $0x12000  }
0x288: {  	[tilespmem:s12], [sflag:$0x2] =	stream.indirect_vreg.gather [hbm4b:s6+s3], $0x80, v3, vm0, $0xb8;
	[tilespmem:$0x18800] =	vst v63  }
0x289: {  	v3 =	vld [tilespmem:$0x3A0];
	_ =	sdelay $0x4  }
0x28a: {  	v30 =	vshrl.u32 v3, $0x3  }
0x28b: {  	v4 =	vmul.u32 $0x30, v30  }
0x28c: {  	v3 =	vand.u32 $0x7, v3  }
0x28d: {  	v3 =	vor.u32 v3, v4  }
0x28e: {  	v4 =	vperm.xlane v3, v0;
	_ =	sdelay $0x1  }
0x28f: {  	v4 =	vadd.s32 v1, v4;
	_ =	sdelay $0x3  }
0x290: {  	s12 =	simm.s32 $0x12800;
	v3 =	vperm.xlane v3, v2  }
0x291: {  	[tilespmem:s12], [sflag:$0x2] =	stream.indirect_vreg.gather [hbm4b:s2+s3], $0x80, v4, vm0, $0xb8;
	[tilespmem:$0x18800] =	vst v63  }
0x292: {  	s30 =	simm.s32 $0x13000;
	v3 =	vadd.s32 v1, v3  }
0x293: {  	[tilespmem:s30], [sflag:$0x2] =	stream.indirect_vreg.gather [hbm4b:s5+s3], $0x80, v4, vm0, $0xb8;
	[tilespmem:$0x18800] =	vst v63  }
0x294: {  	s31 =	simm.s32 $0x13800  }
0x295: {  	[tilespmem:s31], [sflag:$0x2] =	stream.indirect_vreg.gather [hbm4b:s6+s3], $0x80, v4, vm0, $0xb8;
	[tilespmem:$0x18800] =	vst v63  }
0x296: {  	s12 =	simm.s32 $0x14000  }
0x297: {  	[tilespmem:s12], [sflag:$0x2] =	stream.indirect_vreg.gather [hbm4b:s2+s3], $0x80, v3, vm0, $0xb8;
	[tilespmem:$0x18800] =	vst v63  }
0x298: {  	s12 =	simm.s32 $0x14800  }
0x299: {  	[tilespmem:s12], [sflag:$0x2] =	stream.indirect_vreg.gather [hbm4b:s5+s3], $0x80, v3, vm0, $0xb8;
	[tilespmem:$0x18800] =	vst v63  }
0x29a: {  	s12 =	simm.s32 $0x15000  }
0x29b: {  	[tilespmem:s12], [sflag:$0x2] =	stream.indirect_vreg.gather [hbm4b:s6+s3], $0x80, v3, vm0, $0xb8;
	[tilespmem:$0x18800] =	vst v63  }
0x29c: {  	v3 =	vld [tilespmem:$0x3B0];
	_ =	sdelay $0x4  }
0x29d: {  	v31 =	vshrl.u32 v3, $0x3  }
0x29e: {  	v4 =	vmul.u32 $0x30, v31  }
0x29f: {  	v3 =	vand.u32 $0x7, v3  }
0x2a0: {  	v3 =	vor.u32 v3, v4  }
0x2a1: {  	v4 =	vperm.xlane v3, v0;
	_ =	sdelay $0x1  }
0x2a2: {  	v4 =	vadd.s32 v1, v4;
	_ =	sdelay $0x3  }
0x2a3: {  	s12 =	simm.s32 $0x15800;
	v3 =	vperm.xlane v3, v2  }
0x2a4: {  	[tilespmem:s12], [sflag:$0x2] =	stream.indirect_vreg.gather [hbm4b:s2+s3], $0x80, v4, vm0, $0xb8;
	[tilespmem:$0x18800] =	vst v63  }
0x2a5: {  	v3 =	vadd.s32 v1, v3;
	s12 =	simm.s32 $0x16000  }
0x2a6: {  	[tilespmem:s12], [sflag:$0x2] =	stream.indirect_vreg.gather [hbm4b:s5+s3], $0x80, v4, vm0, $0xb8;
	[tilespmem:$0x18800] =	vst v63  }
0x2a7: {  	s12 =	simm.s32 $0x16800  }
0x2a8: {  	[tilespmem:s12], [sflag:$0x2] =	stream.indirect_vreg.gather [hbm4b:s6+s3], $0x80, v4, vm0, $0xb8;
	[tilespmem:$0x18800] =	vst v63  }
0x2a9: {  	s12 =	simm.s32 $0x17000  }
0x2aa: {  	[tilespmem:s12], [sflag:$0x2] =	stream.indirect_vreg.gather [hbm4b:s2+s3], $0x80, v3, vm0, $0xb8;
	[tilespmem:$0x18800] =	vst v63  }
0x2ab: {  	s12 =	simm.s32 $0x17800  }
0x2ac: {  	[tilespmem:s12], [sflag:$0x2] =	stream.indirect_vreg.gather [hbm4b:s5+s3], $0x80, v3, vm0, $0xb8;
	[tilespmem:$0x18800] =	vst v63  }
0x2ad: {  	s13 =	simm.s32 $0x18000  }
0x2ae: {  	[tilespmem:s13], [sflag:$0x2] =	stream.indirect_vreg.gather [hbm4b:s6+s3], $0x80, v3, vm0, $0xb8;
	[tilespmem:$0x18800] =	vst v63  }
0x2af: {  	_ =	swait.ge [sflag:s10], $0xC000  }
0x2b0: {  	[sflag:s10] =	ssyncset.done $0x0  }
0x2b1: {  	s12 =	rddreg [dreg:$0xb];
	[sflag:s10] =	ssyncadd.s32 $0xFFFF4000  }
0x2b2: {  	[hbm4b:s12+s3] =	stream.linear.scatter [tilespmem:s28], [sflag:$0x3], $0xC000, $0x38;
	[tilespmem:$0x18800] =	vst v63  }
0x2b3: {  	_ =	swait.ge [sflag:s8], $0xC000  }
0x2b4: {  	[sflag:s8] =	ssyncset.done $0x0  }
0x2b5: {  	[sflag:s8] =	ssyncadd.s32 $0xFFFF4000  }
0x2b6: {  	v3 =	vld [tilespmem:$0x400];
	_ =	sdelay $0x4  }
0x2b7: {  	v32 =	vshrl.u32 v3, $0x3  }
0x2b8: {  	v4 =	vmul.u32 $0x30, v32  }
0x2b9: {  	v3 =	vand.u32 $0x7, v3  }
0x2ba: {  	v3 =	vor.u32 v3, v4  }
0x2bb: {  	v4 =	vperm.xlane v3, v0;
	_ =	sdelay $0x1  }
0x2bc: {  	v4 =	vadd.s32 v1, v4;
	_ =	sdelay $0x3  }
0x2bd: {  	v3 =	vperm.xlane v3, v2  }
0x2be: {  	[tilespmem:s28], [sflag:$0x1] =	stream.indirect_vreg.gather [hbm4b:s2+s3], $0x80, v4, vm0, $0xb8;
	[tilespmem:$0x18800] =	vst v63  }
0x2bf: {  	s0 =	simm.s32 $0x1000;
	v3 =	vadd.s32 v1, v3  }
0x2c0: {  	[tilespmem:s0], [sflag:$0x1] =	stream.indirect_vreg.gather [hbm4b:s5+s3], $0x80, v4, vm0, $0xb8;
	[tilespmem:$0x18800] =	vst v63  }
0x2c1: {  	s1 =	simm.s32 $0x1800  }
0x2c2: {  	[tilespmem:s1], [sflag:$0x1] =	stream.indirect_vreg.gather [hbm4b:s6+s3], $0x80, v4, vm0, $0xb8;
	[tilespmem:$0x18800] =	vst v63  }
0x2c3: {  	s9 =	simm.s32 $0x2000  }
0x2c4: {  	[tilespmem:s9], [sflag:$0x1] =	stream.indirect_vreg.gather [hbm4b:s2+s3], $0x80, v3, vm0, $0xb8;
	[tilespmem:$0x18800] =	vst v63  }
0x2c5: {  	s14 =	simm.s32 $0x2800  }
0x2c6: {  	[tilespmem:s14], [sflag:$0x1] =	stream.indirect_vreg.gather [hbm4b:s5+s3], $0x80, v3, vm0, $0xb8;
	[tilespmem:$0x18800] =	vst v63  }
0x2c7: {  	s12 =	simm.s32 $0x3000  }
0x2c8: {  	[tilespmem:s12], [sflag:$0x1] =	stream.indirect_vreg.gather [hbm4b:s6+s3], $0x80, v3, vm0, $0xb8;
	[tilespmem:$0x18800] =	vst v63  }
0x2c9: {  	v3 =	vld [tilespmem:$0x410];
	_ =	sdelay $0x4  }
0x2ca: {  	v33 =	vshrl.u32 v3, $0x3  }
0x2cb: {  	v4 =	vmul.u32 $0x30, v33  }
0x2cc: {  	v3 =	vand.u32 $0x7, v3  }
0x2cd: {  	v3 =	vor.u32 v3, v4  }
0x2ce: {  	v4 =	vperm.xlane v3, v0;
	_ =	sdelay $0x1  }
0x2cf: {  	v4 =	vadd.s32 v1, v4;
	_ =	sdelay $0x3  }
0x2d0: {  	s12 =	simm.s32 $0x3800;
	v3 =	vperm.xlane v3, v2  }
0x2d1: {  	[tilespmem:s12], [sflag:$0x1] =	stream.indirect_vreg.gather [hbm4b:s2+s3], $0x80, v4, vm0, $0xb8;
	[tilespmem:$0x18800] =	vst v63  }
0x2d2: {  	s15 =	simm.s32 $0x4000;
	v3 =	vadd.s32 v1, v3  }
0x2d3: {  	[tilespmem:s15], [sflag:$0x1] =	stream.indirect_vreg.gather [hbm4b:s5+s3], $0x80, v4, vm0, $0xb8;
	[tilespmem:$0x18800] =	vst v63  }
0x2d4: {  	s16 =	simm.s32 $0x4800  }
0x2d5: {  	[tilespmem:s16], [sflag:$0x1] =	stream.indirect_vreg.gather [hbm4b:s6+s3], $0x80, v4, vm0, $0xb8;
	[tilespmem:$0x18800] =	vst v63  }
0x2d6: {  	s17 =	simm.s32 $0x5000  }
0x2d7: {  	[tilespmem:s17], [sflag:$0x1] =	stream.indirect_vreg.gather [hbm4b:s2+s3], $0x80, v3, vm0, $0xb8;
	[tilespmem:$0x18800] =	vst v63  }
0x2d8: {  	s18 =	simm.s32 $0x5800  }
0x2d9: {  	[tilespmem:s18], [sflag:$0x1] =	stream.indirect_vreg.gather [hbm4b:s5+s3], $0x80, v3, vm0, $0xb8;
	[tilespmem:$0x18800] =	vst v63  }
0x2da: {  	s12 =	simm.s32 $0x6000  }
0x2db: {  	[tilespmem:s12], [sflag:$0x1] =	stream.indirect_vreg.gather [hbm4b:s6+s3], $0x80, v3, vm0, $0xb8;
	[tilespmem:$0x18800] =	vst v63  }
0x2dc: {  	v3 =	vld [tilespmem:$0x420];
	_ =	sdelay $0x4  }
0x2dd: {  	v34 =	vshrl.u32 v3, $0x3  }
0x2de: {  	v4 =	vmul.u32 $0x30, v34  }
0x2df: {  	v3 =	vand.u32 $0x7, v3  }
0x2e0: {  	v3 =	vor.u32 v3, v4  }
0x2e1: {  	v4 =	vperm.xlane v3, v0;
	_ =	sdelay $0x1  }
0x2e2: {  	v4 =	vadd.s32 v1, v4;
	_ =	sdelay $0x3  }
0x2e3: {  	s12 =	simm.s32 $0x6800;
	v3 =	vperm.xlane v3, v2  }
0x2e4: {  	[tilespmem:s12], [sflag:$0x1] =	stream.indirect_vreg.gather [hbm4b:s2+s3], $0x80, v4, vm0, $0xb8;
	[tilespmem:$0x18800] =	vst v63  }
0x2e5: {  	s19 =	simm.s32 $0x7000;
	v3 =	vadd.s32 v1, v3  }
0x2e6: {  	[tilespmem:s19], [sflag:$0x1] =	stream.indirect_vreg.gather [hbm4b:s5+s3], $0x80, v4, vm0, $0xb8;
	[tilespmem:$0x18800] =	vst v63  }
0x2e7: {  	s20 =	simm.s32 $0x7800  }
0x2e8: {  	[tilespmem:s20], [sflag:$0x1] =	stream.indirect_vreg.gather [hbm4b:s6+s3], $0x80, v4, vm0, $0xb8;
	[tilespmem:$0x18800] =	vst v63  }
0x2e9: {  	s21 =	simm.s32 $0x8000  }
0x2ea: {  	[tilespmem:s21], [sflag:$0x1] =	stream.indirect_vreg.gather [hbm4b:s2+s3], $0x80, v3, vm0, $0xb8;
	[tilespmem:$0x18800] =	vst v63  }
0x2eb: {  	s22 =	simm.s32 $0x8800  }
0x2ec: {  	[tilespmem:s22], [sflag:$0x1] =	stream.indirect_vreg.gather [hbm4b:s5+s3], $0x80, v3, vm0, $0xb8;
	[tilespmem:$0x18800] =	vst v63  }
0x2ed: {  	s12 =	simm.s32 $0x9000  }
0x2ee: {  	[tilespmem:s12], [sflag:$0x1] =	stream.indirect_vreg.gather [hbm4b:s6+s3], $0x80, v3, vm0, $0xb8;
	[tilespmem:$0x18800] =	vst v63  }
0x2ef: {  	v3 =	vld [tilespmem:$0x430];
	_ =	sdelay $0x4  }
0x2f0: {  	v35 =	vshrl.u32 v3, $0x3  }
0x2f1: {  	v4 =	vmul.u32 $0x30, v35  }
0x2f2: {  	v3 =	vand.u32 $0x7, v3  }
0x2f3: {  	v3 =	vor.u32 v3, v4  }
0x2f4: {  	v4 =	vperm.xlane v3, v0;
	_ =	sdelay $0x1  }
0x2f5: {  	v4 =	vadd.s32 v1, v4;
	_ =	sdelay $0x3  }
0x2f6: {  	s12 =	simm.s32 $0x9800;
	v3 =	vperm.xlane v3, v2  }
0x2f7: {  	[tilespmem:s12], [sflag:$0x1] =	stream.indirect_vreg.gather [hbm4b:s2+s3], $0x80, v4, vm0, $0xb8;
	[tilespmem:$0x18800] =	vst v63  }
0x2f8: {  	s23 =	simm.s32 $0xA000;
	v3 =	vadd.s32 v1, v3  }
0x2f9: {  	[tilespmem:s23], [sflag:$0x1] =	stream.indirect_vreg.gather [hbm4b:s5+s3], $0x80, v4, vm0, $0xb8;
	[tilespmem:$0x18800] =	vst v63  }
0x2fa: {  	s24 =	simm.s32 $0xA800  }
0x2fb: {  	[tilespmem:s24], [sflag:$0x1] =	stream.indirect_vreg.gather [hbm4b:s6+s3], $0x80, v4, vm0, $0xb8;
	[tilespmem:$0x18800] =	vst v63  }
0x2fc: {  	s25 =	simm.s32 $0xB000  }
0x2fd: {  	[tilespmem:s25], [sflag:$0x1] =	stream.indirect_vreg.gather [hbm4b:s2+s3], $0x80, v3, vm0, $0xb8;
	[tilespmem:$0x18800] =	vst v63  }
0x2fe: {  	s7 =	simm.s32 $0xB800  }
0x2ff: {  	[tilespmem:s7], [sflag:$0x1] =	stream.indirect_vreg.gather [hbm4b:s5+s3], $0x80, v3, vm0, $0xb8;
	[tilespmem:$0x18800] =	vst v63  }
0x300: {  	s26 =	simm.s32 $0xC000  }
0x301: {  	[tilespmem:s26], [sflag:$0x1] =	stream.indirect_vreg.gather [hbm4b:s6+s3], $0x80, v3, vm0, $0xb8;
	[tilespmem:$0x18800] =	vst v63  }
0x302: {  	_ =	swait.ge [sflag:s11], $0xC000  }
0x303: {  	[sflag:s11] =	ssyncset.done $0x0  }
0x304: {  	s12 =	rddreg [dreg:$0xc];
	[sflag:s11] =	ssyncadd.s32 $0xFFFF4000  }
0x305: {  	[hbm4b:s12+s3] =	stream.linear.scatter [tilespmem:s4], [sflag:$0x3], $0xC000, $0x38;
	[tilespmem:$0x18800] =	vst v63  }
0x306: {  	_ =	swait.ge [sflag:s8], $0xC000  }
0x307: {  	[sflag:s8] =	ssyncset.done $0x0  }
0x308: {  	[sflag:s8] =	ssyncadd.s32 $0xFFFF4000  }
0x309: {  	v3 =	vld [tilespmem:$0x480];
	_ =	sdelay $0x4  }
0x30a: {  	v36 =	vshrl.u32 v3, $0x3  }
0x30b: {  	v4 =	vmul.u32 $0x30, v36  }
0x30c: {  	v3 =	vand.u32 $0x7, v3  }
0x30d: {  	v3 =	vor.u32 v3, v4  }
0x30e: {  	v4 =	vperm.xlane v3, v0;
	_ =	sdelay $0x1  }
0x30f: {  	v4 =	vadd.s32 v1, v4;
	_ =	sdelay $0x3  }
0x310: {  	v3 =	vperm.xlane v3, v2  }
0x311: {  	[tilespmem:s4], [sflag:$0x2] =	stream.indirect_vreg.gather [hbm4b:s2+s3], $0x80, v4, vm0, $0xb8;
	[tilespmem:$0x18800] =	vst v63  }
0x312: {  	s12 =	simm.s32 $0xD000;
	v3 =	vadd.s32 v1, v3  }
0x313: {  	[tilespmem:s12], [sflag:$0x2] =	stream.indirect_vreg.gather [hbm4b:s5+s3], $0x80, v4, vm0, $0xb8;
	[tilespmem:$0x18800] =	vst v63  }
0x314: {  	s12 =	simm.s32 $0xD800  }
0x315: {  	[tilespmem:s12], [sflag:$0x2] =	stream.indirect_vreg.gather [hbm4b:s6+s3], $0x80, v4, vm0, $0xb8;
	[tilespmem:$0x18800] =	vst v63  }
0x316: {  	s12 =	simm.s32 $0xE000  }
0x317: {  	[tilespmem:s12], [sflag:$0x2] =	stream.indirect_vreg.gather [hbm4b:s2+s3], $0x80, v3, vm0, $0xb8;
	[tilespmem:$0x18800] =	vst v63  }
0x318: {  	s12 =	simm.s32 $0xE800  }
0x319: {  	[tilespmem:s12], [sflag:$0x2] =	stream.indirect_vreg.gather [hbm4b:s5+s3], $0x80, v3, vm0, $0xb8;
	[tilespmem:$0x18800] =	vst v63  }
0x31a: {  	s12 =	simm.s32 $0xF000  }
0x31b: {  	[tilespmem:s12], [sflag:$0x2] =	stream.indirect_vreg.gather [hbm4b:s6+s3], $0x80, v3, vm0, $0xb8;
	[tilespmem:$0x18800] =	vst v63  }
0x31c: {  	v3 =	vld [tilespmem:$0x490];
	_ =	sdelay $0x4  }
0x31d: {  	v37 =	vshrl.u32 v3, $0x3  }
0x31e: {  	v4 =	vmul.u32 $0x30, v37  }
0x31f: {  	v3 =	vand.u32 $0x7, v3  }
0x320: {  	v3 =	vor.u32 v3, v4  }
0x321: {  	v4 =	vperm.xlane v3, v0;
	_ =	sdelay $0x1  }
0x322: {  	v4 =	vadd.s32 v1, v4;
	_ =	sdelay $0x3  }
0x323: {  	s12 =	simm.s32 $0xF800;
	v3 =	vperm.xlane v3, v2  }
0x324: {  	[tilespmem:s12], [sflag:$0x2] =	stream.indirect_vreg.gather [hbm4b:s2+s3], $0x80, v4, vm0, $0xb8;
	[tilespmem:$0x18800] =	vst v63  }
0x325: {  	s29 =	simm.s32 $0x10000;
	v3 =	vadd.s32 v1, v3  }
0x326: {  	[tilespmem:s29], [sflag:$0x2] =	stream.indirect_vreg.gather [hbm4b:s5+s3], $0x80, v4, vm0, $0xb8;
	[tilespmem:$0x18800] =	vst v63  }
0x327: {  	s12 =	simm.s32 $0x10800  }
0x328: {  	[tilespmem:s12], [sflag:$0x2] =	stream.indirect_vreg.gather [hbm4b:s6+s3], $0x80, v4, vm0, $0xb8;
	[tilespmem:$0x18800] =	vst v63  }
0x329: {  	s12 =	simm.s32 $0x11000  }
0x32a: {  	[tilespmem:s12], [sflag:$0x2] =	stream.indirect_vreg.gather [hbm4b:s2+s3], $0x80, v3, vm0, $0xb8;
	[tilespmem:$0x18800] =	vst v63  }
0x32b: {  	s12 =	simm.s32 $0x11800  }
0x32c: {  	[tilespmem:s12], [sflag:$0x2] =	stream.indirect_vreg.gather [hbm4b:s5+s3], $0x80, v3, vm0, $0xb8;
	[tilespmem:$0x18800] =	vst v63  }
0x32d: {  	s12 =	simm.s32 $0x12000  }
0x32e: {  	[tilespmem:s12], [sflag:$0x2] =	stream.indirect_vreg.gather [hbm4b:s6+s3], $0x80, v3, vm0, $0xb8;
	[tilespmem:$0x18800] =	vst v63  }
0x32f: {  	v3 =	vld [tilespmem:$0x4A0];
	_ =	sdelay $0x4  }
0x330: {  	v38 =	vshrl.u32 v3, $0x3  }
0x331: {  	v4 =	vmul.u32 $0x30, v38  }
0x332: {  	v3 =	vand.u32 $0x7, v3  }
0x333: {  	v3 =	vor.u32 v3, v4  }
0x334: {  	v4 =	vperm.xlane v3, v0;
	_ =	sdelay $0x1  }
0x335: {  	v4 =	vadd.s32 v1, v4;
	_ =	sdelay $0x3  }
0x336: {  	s12 =	simm.s32 $0x12800;
	v3 =	vperm.xlane v3, v2  }
0x337: {  	[tilespmem:s12], [sflag:$0x2] =	stream.indirect_vreg.gather [hbm4b:s2+s3], $0x80, v4, vm0, $0xb8;
	[tilespmem:$0x18800] =	vst v63  }
0x338: {  	s30 =	simm.s32 $0x13000;
	v3 =	vadd.s32 v1, v3  }
0x339: {  	[tilespmem:s30], [sflag:$0x2] =	stream.indirect_vreg.gather [hbm4b:s5+s3], $0x80, v4, vm0, $0xb8;
	[tilespmem:$0x18800] =	vst v63  }
0x33a: {  	s31 =	simm.s32 $0x13800  }
0x33b: {  	[tilespmem:s31], [sflag:$0x2] =	stream.indirect_vreg.gather [hbm4b:s6+s3], $0x80, v4, vm0, $0xb8;
	[tilespmem:$0x18800] =	vst v63  }
0x33c: {  	s12 =	simm.s32 $0x14000  }
0x33d: {  	[tilespmem:s12], [sflag:$0x2] =	stream.indirect_vreg.gather [hbm4b:s2+s3], $0x80, v3, vm0, $0xb8;
	[tilespmem:$0x18800] =	vst v63  }
0x33e: {  	s12 =	simm.s32 $0x14800  }
0x33f: {  	[tilespmem:s12], [sflag:$0x2] =	stream.indirect_vreg.gather [hbm4b:s5+s3], $0x80, v3, vm0, $0xb8;
	[tilespmem:$0x18800] =	vst v63  }
0x340: {  	s12 =	simm.s32 $0x15000  }
0x341: {  	[tilespmem:s12], [sflag:$0x2] =	stream.indirect_vreg.gather [hbm4b:s6+s3], $0x80, v3, vm0, $0xb8;
	[tilespmem:$0x18800] =	vst v63  }
0x342: {  	v3 =	vld [tilespmem:$0x4B0];
	_ =	sdelay $0x4  }
0x343: {  	v39 =	vshrl.u32 v3, $0x3  }
0x344: {  	v4 =	vmul.u32 $0x30, v39  }
0x345: {  	v3 =	vand.u32 $0x7, v3  }
0x346: {  	v3 =	vor.u32 v3, v4  }
0x347: {  	v4 =	vperm.xlane v3, v0;
	_ =	sdelay $0x1  }
0x348: {  	v4 =	vadd.s32 v1, v4;
	_ =	sdelay $0x3  }
0x349: {  	s12 =	simm.s32 $0x15800;
	v3 =	vperm.xlane v3, v2  }
0x34a: {  	[tilespmem:s12], [sflag:$0x2] =	stream.indirect_vreg.gather [hbm4b:s2+s3], $0x80, v4, vm0, $0xb8;
	[tilespmem:$0x18800] =	vst v63  }
0x34b: {  	v3 =	vadd.s32 v1, v3;
	s12 =	simm.s32 $0x16000  }
0x34c: {  	[tilespmem:s12], [sflag:$0x2] =	stream.indirect_vreg.gather [hbm4b:s5+s3], $0x80, v4, vm0, $0xb8;
	[tilespmem:$0x18800] =	vst v63  }
0x34d: {  	s12 =	simm.s32 $0x16800  }
0x34e: {  	[tilespmem:s12], [sflag:$0x2] =	stream.indirect_vreg.gather [hbm4b:s6+s3], $0x80, v4, vm0, $0xb8;
	[tilespmem:$0x18800] =	vst v63  }
0x34f: {  	s12 =	simm.s32 $0x17000  }
0x350: {  	[tilespmem:s12], [sflag:$0x2] =	stream.indirect_vreg.gather [hbm4b:s2+s3], $0x80, v3, vm0, $0xb8;
	[tilespmem:$0x18800] =	vst v63  }
0x351: {  	s12 =	simm.s32 $0x17800  }
0x352: {  	[tilespmem:s12], [sflag:$0x2] =	stream.indirect_vreg.gather [hbm4b:s5+s3], $0x80, v3, vm0, $0xb8;
	[tilespmem:$0x18800] =	vst v63  }
0x353: {  	s13 =	simm.s32 $0x18000  }
0x354: {  	[tilespmem:s13], [sflag:$0x2] =	stream.indirect_vreg.gather [hbm4b:s6+s3], $0x80, v3, vm0, $0xb8;
	[tilespmem:$0x18800] =	vst v63  }
0x355: {  	_ =	swait.ge [sflag:s10], $0xC000  }
0x356: {  	[sflag:s10] =	ssyncset.done $0x0  }
0x357: {  	s12 =	rddreg [dreg:$0xd];
	[sflag:s10] =	ssyncadd.s32 $0xFFFF4000  }
0x358: {  	[hbm4b:s12+s3] =	stream.linear.scatter [tilespmem:s28], [sflag:$0x3], $0xC000, $0x38;
	[tilespmem:$0x18800] =	vst v63  }
0x359: {  	_ =	swait.ge [sflag:s8], $0xC000  }
0x35a: {  	[sflag:s8] =	ssyncset.done $0x0  }
0x35b: {  	[sflag:s8] =	ssyncadd.s32 $0xFFFF4000  }
0x35c: {  	v3 =	vld [tilespmem:$0x500];
	_ =	sdelay $0x4  }
0x35d: {  	v40 =	vshrl.u32 v3, $0x3  }
0x35e: {  	v4 =	vmul.u32 $0x30, v40  }
0x35f: {  	v3 =	vand.u32 $0x7, v3  }
0x360: {  	v3 =	vor.u32 v3, v4  }
0x361: {  	v4 =	vperm.xlane v3, v0;
	_ =	sdelay $0x1  }
0x362: {  	v4 =	vadd.s32 v1, v4;
	_ =	sdelay $0x3  }
0x363: {  	v3 =	vperm.xlane v3, v2  }
0x364: {  	[tilespmem:s28], [sflag:$0x1] =	stream.indirect_vreg.gather [hbm4b:s2+s3], $0x80, v4, vm0, $0xb8;
	[tilespmem:$0x18800] =	vst v63  }
0x365: {  	s0 =	simm.s32 $0x1000;
	v3 =	vadd.s32 v1, v3  }
0x366: {  	[tilespmem:s0], [sflag:$0x1] =	stream.indirect_vreg.gather [hbm4b:s5+s3], $0x80, v4, vm0, $0xb8;
	[tilespmem:$0x18800] =	vst v63  }
0x367: {  	s1 =	simm.s32 $0x1800  }
0x368: {  	[tilespmem:s1], [sflag:$0x1] =	stream.indirect_vreg.gather [hbm4b:s6+s3], $0x80, v4, vm0, $0xb8;
	[tilespmem:$0x18800] =	vst v63  }
0x369: {  	s9 =	simm.s32 $0x2000  }
0x36a: {  	[tilespmem:s9], [sflag:$0x1] =	stream.indirect_vreg.gather [hbm4b:s2+s3], $0x80, v3, vm0, $0xb8;
	[tilespmem:$0x18800] =	vst v63  }
0x36b: {  	s14 =	simm.s32 $0x2800  }
0x36c: {  	[tilespmem:s14], [sflag:$0x1] =	stream.indirect_vreg.gather [hbm4b:s5+s3], $0x80, v3, vm0, $0xb8;
	[tilespmem:$0x18800] =	vst v63  }
0x36d: {  	s12 =	simm.s32 $0x3000  }
0x36e: {  	[tilespmem:s12], [sflag:$0x1] =	stream.indirect_vreg.gather [hbm4b:s6+s3], $0x80, v3, vm0, $0xb8;
	[tilespmem:$0x18800] =	vst v63  }
0x36f: {  	v3 =	vld [tilespmem:$0x510];
	_ =	sdelay $0x4  }
0x370: {  	v41 =	vshrl.u32 v3, $0x3  }
0x371: {  	v4 =	vmul.u32 $0x30, v41  }
0x372: {  	v3 =	vand.u32 $0x7, v3  }
0x373: {  	v3 =	vor.u32 v3, v4  }
0x374: {  	v4 =	vperm.xlane v3, v0;
	_ =	sdelay $0x1  }
0x375: {  	v4 =	vadd.s32 v1, v4;
	_ =	sdelay $0x3  }
0x376: {  	s12 =	simm.s32 $0x3800;
	v3 =	vperm.xlane v3, v2  }
0x377: {  	[tilespmem:s12], [sflag:$0x1] =	stream.indirect_vreg.gather [hbm4b:s2+s3], $0x80, v4, vm0, $0xb8;
	[tilespmem:$0x18800] =	vst v63  }
0x378: {  	s15 =	simm.s32 $0x4000;
	v3 =	vadd.s32 v1, v3  }
0x379: {  	[tilespmem:s15], [sflag:$0x1] =	stream.indirect_vreg.gather [hbm4b:s5+s3], $0x80, v4, vm0, $0xb8;
	[tilespmem:$0x18800] =	vst v63  }
0x37a: {  	s16 =	simm.s32 $0x4800  }
0x37b: {  	[tilespmem:s16], [sflag:$0x1] =	stream.indirect_vreg.gather [hbm4b:s6+s3], $0x80, v4, vm0, $0xb8;
	[tilespmem:$0x18800] =	vst v63  }
0x37c: {  	s17 =	simm.s32 $0x5000  }
0x37d: {  	[tilespmem:s17], [sflag:$0x1] =	stream.indirect_vreg.gather [hbm4b:s2+s3], $0x80, v3, vm0, $0xb8;
	[tilespmem:$0x18800] =	vst v63  }
0x37e: {  	s18 =	simm.s32 $0x5800  }
0x37f: {  	[tilespmem:s18], [sflag:$0x1] =	stream.indirect_vreg.gather [hbm4b:s5+s3], $0x80, v3, vm0, $0xb8;
	[tilespmem:$0x18800] =	vst v63  }
0x380: {  	s12 =	simm.s32 $0x6000  }
0x381: {  	[tilespmem:s12], [sflag:$0x1] =	stream.indirect_vreg.gather [hbm4b:s6+s3], $0x80, v3, vm0, $0xb8;
	[tilespmem:$0x18800] =	vst v63  }
0x382: {  	v3 =	vld [tilespmem:$0x520];
	_ =	sdelay $0x4  }
0x383: {  	v42 =	vshrl.u32 v3, $0x3  }
0x384: {  	v4 =	vmul.u32 $0x30, v42  }
0x385: {  	v3 =	vand.u32 $0x7, v3  }
0x386: {  	v3 =	vor.u32 v3, v4  }
0x387: {  	v4 =	vperm.xlane v3, v0;
	_ =	sdelay $0x1  }
0x388: {  	v4 =	vadd.s32 v1, v4;
	_ =	sdelay $0x3  }
0x389: {  	s12 =	simm.s32 $0x6800;
	v3 =	vperm.xlane v3, v2  }
0x38a: {  	[tilespmem:s12], [sflag:$0x1] =	stream.indirect_vreg.gather [hbm4b:s2+s3], $0x80, v4, vm0, $0xb8;
	[tilespmem:$0x18800] =	vst v63  }
0x38b: {  	s19 =	simm.s32 $0x7000;
	v3 =	vadd.s32 v1, v3  }
0x38c: {  	[tilespmem:s19], [sflag:$0x1] =	stream.indirect_vreg.gather [hbm4b:s5+s3], $0x80, v4, vm0, $0xb8;
	[tilespmem:$0x18800] =	vst v63  }
0x38d: {  	s20 =	simm.s32 $0x7800  }
0x38e: {  	[tilespmem:s20], [sflag:$0x1] =	stream.indirect_vreg.gather [hbm4b:s6+s3], $0x80, v4, vm0, $0xb8;
	[tilespmem:$0x18800] =	vst v63  }
0x38f: {  	s21 =	simm.s32 $0x8000  }
0x390: {  	[tilespmem:s21], [sflag:$0x1] =	stream.indirect_vreg.gather [hbm4b:s2+s3], $0x80, v3, vm0, $0xb8;
	[tilespmem:$0x18800] =	vst v63  }
0x391: {  	s22 =	simm.s32 $0x8800  }
0x392: {  	[tilespmem:s22], [sflag:$0x1] =	stream.indirect_vreg.gather [hbm4b:s5+s3], $0x80, v3, vm0, $0xb8;
	[tilespmem:$0x18800] =	vst v63  }
0x393: {  	s12 =	simm.s32 $0x9000  }
0x394: {  	[tilespmem:s12], [sflag:$0x1] =	stream.indirect_vreg.gather [hbm4b:s6+s3], $0x80, v3, vm0, $0xb8;
	[tilespmem:$0x18800] =	vst v63  }
0x395: {  	v3 =	vld [tilespmem:$0x530];
	_ =	sdelay $0x4  }
0x396: {  	v43 =	vshrl.u32 v3, $0x3  }
0x397: {  	v4 =	vmul.u32 $0x30, v43  }
0x398: {  	v3 =	vand.u32 $0x7, v3  }
0x399: {  	v3 =	vor.u32 v3, v4  }
0x39a: {  	v4 =	vperm.xlane v3, v0;
	_ =	sdelay $0x1  }
0x39b: {  	v4 =	vadd.s32 v1, v4;
	_ =	sdelay $0x3  }
0x39c: {  	s12 =	simm.s32 $0x9800;
	v3 =	vperm.xlane v3, v2  }
0x39d: {  	[tilespmem:s12], [sflag:$0x1] =	stream.indirect_vreg.gather [hbm4b:s2+s3], $0x80, v4, vm0, $0xb8;
	[tilespmem:$0x18800] =	vst v63  }
0x39e: {  	s23 =	simm.s32 $0xA000;
	v3 =	vadd.s32 v1, v3  }
0x39f: {  	[tilespmem:s23], [sflag:$0x1] =	stream.indirect_vreg.gather [hbm4b:s5+s3], $0x80, v4, vm0, $0xb8;
	[tilespmem:$0x18800] =	vst v63  }
0x3a0: {  	s24 =	simm.s32 $0xA800  }
0x3a1: {  	[tilespmem:s24], [sflag:$0x1] =	stream.indirect_vreg.gather [hbm4b:s6+s3], $0x80, v4, vm0, $0xb8;
	[tilespmem:$0x18800] =	vst v63  }
0x3a2: {  	s25 =	simm.s32 $0xB000  }
0x3a3: {  	[tilespmem:s25], [sflag:$0x1] =	stream.indirect_vreg.gather [hbm4b:s2+s3], $0x80, v3, vm0, $0xb8;
	[tilespmem:$0x18800] =	vst v63  }
0x3a4: {  	s7 =	simm.s32 $0xB800  }
0x3a5: {  	[tilespmem:s7], [sflag:$0x1] =	stream.indirect_vreg.gather [hbm4b:s5+s3], $0x80, v3, vm0, $0xb8;
	[tilespmem:$0x18800] =	vst v63  }
0x3a6: {  	s26 =	simm.s32 $0xC000  }
0x3a7: {  	[tilespmem:s26], [sflag:$0x1] =	stream.indirect_vreg.gather [hbm4b:s6+s3], $0x80, v3, vm0, $0xb8;
	[tilespmem:$0x18800] =	vst v63  }
0x3a8: {  	_ =	swait.ge [sflag:s11], $0xC000  }
0x3a9: {  	[sflag:s11] =	ssyncset.done $0x0  }
0x3aa: {  	s12 =	rddreg [dreg:$0xe];
	[sflag:s11] =	ssyncadd.s32 $0xFFFF4000  }
0x3ab: {  	[hbm4b:s12+s3] =	stream.linear.scatter [tilespmem:s4], [sflag:$0x3], $0xC000, $0x38;
	[tilespmem:$0x18800] =	vst v63  }
0x3ac: {  	_ =	swait.ge [sflag:s8], $0xC000  }
0x3ad: {  	[sflag:s8] =	ssyncset.done $0x0  }
0x3ae: {  	[sflag:s8] =	ssyncadd.s32 $0xFFFF4000  }
0x3af: {  	v3 =	vld [tilespmem:$0x580];
	_ =	sdelay $0x4  }
0x3b0: {  	v44 =	vshrl.u32 v3, $0x3  }
0x3b1: {  	v4 =	vmul.u32 $0x30, v44  }
0x3b2: {  	v3 =	vand.u32 $0x7, v3  }
0x3b3: {  	v3 =	vor.u32 v3, v4  }
0x3b4: {  	v4 =	vperm.xlane v3, v0;
	_ =	sdelay $0x1  }
0x3b5: {  	v4 =	vadd.s32 v1, v4;
	_ =	sdelay $0x3  }
0x3b6: {  	v3 =	vperm.xlane v3, v2  }
0x3b7: {  	[tilespmem:s4], [sflag:$0x2] =	stream.indirect_vreg.gather [hbm4b:s2+s3], $0x80, v4, vm0, $0xb8;
	[tilespmem:$0x18800] =	vst v63  }
0x3b8: {  	s12 =	simm.s32 $0xD000;
	v3 =	vadd.s32 v1, v3  }
0x3b9: {  	[tilespmem:s12], [sflag:$0x2] =	stream.indirect_vreg.gather [hbm4b:s5+s3], $0x80, v4, vm0, $0xb8;
	[tilespmem:$0x18800] =	vst v63  }
0x3ba: {  	s12 =	simm.s32 $0xD800  }
0x3bb: {  	[tilespmem:s12], [sflag:$0x2] =	stream.indirect_vreg.gather [hbm4b:s6+s3], $0x80, v4, vm0, $0xb8;
	[tilespmem:$0x18800] =	vst v63  }
0x3bc: {  	s12 =	simm.s32 $0xE000  }
0x3bd: {  	[tilespmem:s12], [sflag:$0x2] =	stream.indirect_vreg.gather [hbm4b:s2+s3], $0x80, v3, vm0, $0xb8;
	[tilespmem:$0x18800] =	vst v63  }
0x3be: {  	s12 =	simm.s32 $0xE800  }
0x3bf: {  	[tilespmem:s12], [sflag:$0x2] =	stream.indirect_vreg.gather [hbm4b:s5+s3], $0x80, v3, vm0, $0xb8;
	[tilespmem:$0x18800] =	vst v63  }
0x3c0: {  	s12 =	simm.s32 $0xF000  }
0x3c1: {  	[tilespmem:s12], [sflag:$0x2] =	stream.indirect_vreg.gather [hbm4b:s6+s3], $0x80, v3, vm0, $0xb8;
	[tilespmem:$0x18800] =	vst v63  }
0x3c2: {  	v3 =	vld [tilespmem:$0x590];
	_ =	sdelay $0x4  }
0x3c3: {  	v45 =	vshrl.u32 v3, $0x3  }
0x3c4: {  	v4 =	vmul.u32 $0x30, v45  }
0x3c5: {  	v3 =	vand.u32 $0x7, v3  }
0x3c6: {  	v3 =	vor.u32 v3, v4  }
0x3c7: {  	v4 =	vperm.xlane v3, v0;
	_ =	sdelay $0x1  }
0x3c8: {  	v4 =	vadd.s32 v1, v4;
	_ =	sdelay $0x3  }
0x3c9: {  	s12 =	simm.s32 $0xF800;
	v3 =	vperm.xlane v3, v2  }
0x3ca: {  	[tilespmem:s12], [sflag:$0x2] =	stream.indirect_vreg.gather [hbm4b:s2+s3], $0x80, v4, vm0, $0xb8;
	[tilespmem:$0x18800] =	vst v63  }
0x3cb: {  	s29 =	simm.s32 $0x10000;
	v3 =	vadd.s32 v1, v3  }
0x3cc: {  	[tilespmem:s29], [sflag:$0x2] =	stream.indirect_vreg.gather [hbm4b:s5+s3], $0x80, v4, vm0, $0xb8;
	[tilespmem:$0x18800] =	vst v63  }
0x3cd: {  	s29 =	simm.s32 $0x10800  }
0x3ce: {  	[tilespmem:s29], [sflag:$0x2] =	stream.indirect_vreg.gather [hbm4b:s6+s3], $0x80, v4, vm0, $0xb8;
	[tilespmem:$0x18800] =	vst v63  }
0x3cf: {  	s29 =	simm.s32 $0x11000  }
0x3d0: {  	[tilespmem:s29], [sflag:$0x2] =	stream.indirect_vreg.gather [hbm4b:s2+s3], $0x80, v3, vm0, $0xb8;
	[tilespmem:$0x18800] =	vst v63  }
0x3d1: {  	s29 =	simm.s32 $0x11800  }
0x3d2: {  	[tilespmem:s29], [sflag:$0x2] =	stream.indirect_vreg.gather [hbm4b:s5+s3], $0x80, v3, vm0, $0xb8;
	[tilespmem:$0x18800] =	vst v63  }
0x3d3: {  	s29 =	simm.s32 $0x12000  }
0x3d4: {  	[tilespmem:s29], [sflag:$0x2] =	stream.indirect_vreg.gather [hbm4b:s6+s3], $0x80, v3, vm0, $0xb8;
	[tilespmem:$0x18800] =	vst v63  }
0x3d5: {  	v3 =	vld [tilespmem:$0x5A0];
	_ =	sdelay $0x4  }
0x3d6: {  	v46 =	vshrl.u32 v3, $0x3  }
0x3d7: {  	v4 =	vmul.u32 $0x30, v46  }
0x3d8: {  	v3 =	vand.u32 $0x7, v3  }
0x3d9: {  	v3 =	vor.u32 v3, v4  }
0x3da: {  	v4 =	vperm.xlane v3, v0;
	_ =	sdelay $0x1  }
0x3db: {  	v4 =	vadd.s32 v1, v4;
	_ =	sdelay $0x3  }
0x3dc: {  	s29 =	simm.s32 $0x12800;
	v3 =	vperm.xlane v3, v2  }
0x3dd: {  	[tilespmem:s29], [sflag:$0x2] =	stream.indirect_vreg.gather [hbm4b:s2+s3], $0x80, v4, vm0, $0xb8;
	[tilespmem:$0x18800] =	vst v63  }
0x3de: {  	s30 =	simm.s32 $0x13000;
	v3 =	vadd.s32 v1, v3  }
0x3df: {  	[tilespmem:s30], [sflag:$0x2] =	stream.indirect_vreg.gather [hbm4b:s5+s3], $0x80, v4, vm0, $0xb8;
	[tilespmem:$0x18800] =	vst v63  }
0x3e0: {  	s31 =	simm.s32 $0x13800  }
0x3e1: {  	[tilespmem:s31], [sflag:$0x2] =	stream.indirect_vreg.gather [hbm4b:s6+s3], $0x80, v4, vm0, $0xb8;
	[tilespmem:$0x18800] =	vst v63  }
0x3e2: {  	s30 =	simm.s32 $0x14000  }
0x3e3: {  	[tilespmem:s30], [sflag:$0x2] =	stream.indirect_vreg.gather [hbm4b:s2+s3], $0x80, v3, vm0, $0xb8;
	[tilespmem:$0x18800] =	vst v63  }
0x3e4: {  	s31 =	simm.s32 $0x14800  }
0x3e5: {  	[tilespmem:s31], [sflag:$0x2] =	stream.indirect_vreg.gather [hbm4b:s5+s3], $0x80, v3, vm0, $0xb8;
	[tilespmem:$0x18800] =	vst v63  }
0x3e6: {  	s29 =	simm.s32 $0x15000  }
0x3e7: {  	[tilespmem:s29], [sflag:$0x2] =	stream.indirect_vreg.gather [hbm4b:s6+s3], $0x80, v3, vm0, $0xb8;
	[tilespmem:$0x18800] =	vst v63  }
0x3e8: {  	v3 =	vld [tilespmem:$0x5B0];
	_ =	sdelay $0x4  }
0x3e9: {  	v47 =	vshrl.u32 v3, $0x3  }
0x3ea: {  	v4 =	vmul.u32 $0x30, v47  }
0x3eb: {  	v3 =	vand.u32 $0x7, v3  }
0x3ec: {  	v3 =	vor.u32 v3, v4  }
0x3ed: {  	v4 =	vperm.xlane v3, v0;
	_ =	sdelay $0x1  }
0x3ee: {  	v4 =	vadd.s32 v1, v4;
	_ =	sdelay $0x3  }
0x3ef: {  	s30 =	simm.s32 $0x15800;
	v3 =	vperm.xlane v3, v2  }
0x3f0: {  	[tilespmem:s30], [sflag:$0x2] =	stream.indirect_vreg.gather [hbm4b:s2+s3], $0x80, v4, vm0, $0xb8;
	[tilespmem:$0x18800] =	vst v63  }
0x3f1: {  	s31 =	simm.s32 $0x16000;
	v3 =	vadd.s32 v1, v3  }
0x3f2: {  	[tilespmem:s31], [sflag:$0x2] =	stream.indirect_vreg.gather [hbm4b:s5+s3], $0x80, v4, vm0, $0xb8;
	[tilespmem:$0x18800] =	vst v63  }
0x3f3: {  	s29 =	simm.s32 $0x16800  }
0x3f4: {  	[tilespmem:s29], [sflag:$0x2] =	stream.indirect_vreg.gather [hbm4b:s6+s3], $0x80, v4, vm0, $0xb8;
	[tilespmem:$0x18800] =	vst v63  }
0x3f5: {  	s30 =	simm.s32 $0x17000  }
0x3f6: {  	[tilespmem:s30], [sflag:$0x2] =	stream.indirect_vreg.gather [hbm4b:s2+s3], $0x80, v3, vm0, $0xb8;
	[tilespmem:$0x18800] =	vst v63  }
0x3f7: {  	s31 =	simm.s32 $0x17800  }
0x3f8: {  	[tilespmem:s31], [sflag:$0x2] =	stream.indirect_vreg.gather [hbm4b:s5+s3], $0x80, v3, vm0, $0xb8;
	[tilespmem:$0x18800] =	vst v63  }
0x3f9: {  	s13 =	simm.s32 $0x18000  }
0x3fa: {  	[tilespmem:s13], [sflag:$0x2] =	stream.indirect_vreg.gather [hbm4b:s6+s3], $0x80, v3, vm0, $0xb8;
	[tilespmem:$0x18800] =	vst v63  }
0x3fb: {  	_ =	swait.ge [sflag:s10], $0xC000  }
0x3fc: {  	[sflag:s10] =	ssyncset.done $0x0  }
0x3fd: {  	s13 =	rddreg [dreg:$0xf];
	[sflag:s10] =	ssyncadd.s32 $0xFFFF4000  }
0x3fe: {  	[hbm4b:s13+s3] =	stream.linear.scatter [tilespmem:s28], [sflag:$0x3], $0xC000, $0x38;
	[tilespmem:$0x18800] =	vst v63  }
0x3ff: {  	_ =	swait.ge [sflag:s8], $0xC000  }
0x400: {  	[sflag:s8] =	ssyncset.done $0x0  }
0x401: {  	[sflag:s8] =	ssyncadd.s32 $0xFFFF4000  }
0x402: {  	v3 =	vld [tilespmem:$0x600];
	_ =	sdelay $0x4  }
0x403: {  	v48 =	vshrl.u32 v3, $0x3  }
0x404: {  	v4 =	vmul.u32 $0x30, v48  }
0x405: {  	v3 =	vand.u32 $0x7, v3  }
0x406: {  	v3 =	vor.u32 v3, v4  }
0x407: {  	v4 =	vperm.xlane v3, v0;
	_ =	sdelay $0x1  }
0x408: {  	v4 =	vadd.s32 v1, v4;
	_ =	sdelay $0x3  }
0x409: {  	v3 =	vperm.xlane v3, v2  }
0x40a: {  	[tilespmem:s28], [sflag:$0x1] =	stream.indirect_vreg.gather [hbm4b:s2+s3], $0x80, v4, vm0, $0xb8;
	[tilespmem:$0x18800] =	vst v63  }
0x40b: {  	s0 =	simm.s32 $0x1000;
	v3 =	vadd.s32 v1, v3  }
0x40c: {  	[tilespmem:s0], [sflag:$0x1] =	stream.indirect_vreg.gather [hbm4b:s5+s3], $0x80, v4, vm0, $0xb8;
	[tilespmem:$0x18800] =	vst v63  }
0x40d: {  	s1 =	simm.s32 $0x1800  }
0x40e: {  	[tilespmem:s1], [sflag:$0x1] =	stream.indirect_vreg.gather [hbm4b:s6+s3], $0x80, v4, vm0, $0xb8;
	[tilespmem:$0x18800] =	vst v63  }
0x40f: {  	s9 =	simm.s32 $0x2000  }
0x410: {  	[tilespmem:s9], [sflag:$0x1] =	stream.indirect_vreg.gather [hbm4b:s2+s3], $0x80, v3, vm0, $0xb8;
	[tilespmem:$0x18800] =	vst v63  }
0x411: {  	s14 =	simm.s32 $0x2800  }
0x412: {  	[tilespmem:s14], [sflag:$0x1] =	stream.indirect_vreg.gather [hbm4b:s5+s3], $0x80, v3, vm0, $0xb8;
	[tilespmem:$0x18800] =	vst v63  }
0x413: {  	s29 =	simm.s32 $0x3000  }
0x414: {  	[tilespmem:s29], [sflag:$0x1] =	stream.indirect_vreg.gather [hbm4b:s6+s3], $0x80, v3, vm0, $0xb8;
	[tilespmem:$0x18800] =	vst v63  }
0x415: {  	v3 =	vld [tilespmem:$0x610];
	_ =	sdelay $0x4  }
0x416: {  	v49 =	vshrl.u32 v3, $0x3  }
0x417: {  	v4 =	vmul.u32 $0x30, v49  }
0x418: {  	v3 =	vand.u32 $0x7, v3  }
0x419: {  	v3 =	vor.u32 v3, v4  }
0x41a: {  	v4 =	vperm.xlane v3, v0;
	_ =	sdelay $0x1  }
0x41b: {  	v4 =	vadd.s32 v1, v4;
	_ =	sdelay $0x3  }
0x41c: {  	s30 =	simm.s32 $0x3800;
	v3 =	vperm.xlane v3, v2  }
0x41d: {  	[tilespmem:s30], [sflag:$0x1] =	stream.indirect_vreg.gather [hbm4b:s2+s3], $0x80, v4, vm0, $0xb8;
	[tilespmem:$0x18800] =	vst v63  }
0x41e: {  	s15 =	simm.s32 $0x4000;
	v3 =	vadd.s32 v1, v3  }
0x41f: {  	[tilespmem:s15], [sflag:$0x1] =	stream.indirect_vreg.gather [hbm4b:s5+s3], $0x80, v4, vm0, $0xb8;
	[tilespmem:$0x18800] =	vst v63  }
0x420: {  	s16 =	simm.s32 $0x4800  }
0x421: {  	[tilespmem:s16], [sflag:$0x1] =	stream.indirect_vreg.gather [hbm4b:s6+s3], $0x80, v4, vm0, $0xb8;
	[tilespmem:$0x18800] =	vst v63  }
0x422: {  	s17 =	simm.s32 $0x5000  }
0x423: {  	[tilespmem:s17], [sflag:$0x1] =	stream.indirect_vreg.gather [hbm4b:s2+s3], $0x80, v3, vm0, $0xb8;
	[tilespmem:$0x18800] =	vst v63  }
0x424: {  	s18 =	simm.s32 $0x5800  }
0x425: {  	[tilespmem:s18], [sflag:$0x1] =	stream.indirect_vreg.gather [hbm4b:s5+s3], $0x80, v3, vm0, $0xb8;
	[tilespmem:$0x18800] =	vst v63  }
0x426: {  	s31 =	simm.s32 $0x6000  }
0x427: {  	[tilespmem:s31], [sflag:$0x1] =	stream.indirect_vreg.gather [hbm4b:s6+s3], $0x80, v3, vm0, $0xb8;
	[tilespmem:$0x18800] =	vst v63  }
0x428: {  	v3 =	vld [tilespmem:$0x620];
	_ =	sdelay $0x4  }
0x429: {  	v50 =	vshrl.u32 v3, $0x3  }
0x42a: {  	v4 =	vmul.u32 $0x30, v50  }
0x42b: {  	v3 =	vand.u32 $0x7, v3  }
0x42c: {  	v3 =	vor.u32 v3, v4  }
0x42d: {  	v4 =	vperm.xlane v3, v0;
	_ =	sdelay $0x1  }
0x42e: {  	v4 =	vadd.s32 v1, v4;
	_ =	sdelay $0x3  }
0x42f: {  	s18 =	simm.s32 $0x6800;
	v3 =	vperm.xlane v3, v2  }
0x430: {  	[tilespmem:s18], [sflag:$0x1] =	stream.indirect_vreg.gather [hbm4b:s2+s3], $0x80, v4, vm0, $0xb8;
	[tilespmem:$0x18800] =	vst v63  }
0x431: {  	s19 =	simm.s32 $0x7000;
	v3 =	vadd.s32 v1, v3  }
0x432: {  	[tilespmem:s19], [sflag:$0x1] =	stream.indirect_vreg.gather [hbm4b:s5+s3], $0x80, v4, vm0, $0xb8;
	[tilespmem:$0x18800] =	vst v63  }
0x433: {  	s20 =	simm.s32 $0x7800  }
0x434: {  	[tilespmem:s20], [sflag:$0x1] =	stream.indirect_vreg.gather [hbm4b:s6+s3], $0x80, v4, vm0, $0xb8;
	[tilespmem:$0x18800] =	vst v63  }
0x435: {  	s21 =	simm.s32 $0x8000  }
0x436: {  	[tilespmem:s21], [sflag:$0x1] =	stream.indirect_vreg.gather [hbm4b:s2+s3], $0x80, v3, vm0, $0xb8;
	[tilespmem:$0x18800] =	vst v63  }
0x437: {  	s22 =	simm.s32 $0x8800  }
0x438: {  	[tilespmem:s22], [sflag:$0x1] =	stream.indirect_vreg.gather [hbm4b:s5+s3], $0x80, v3, vm0, $0xb8;
	[tilespmem:$0x18800] =	vst v63  }
0x439: {  	s22 =	simm.s32 $0x9000  }
0x43a: {  	[tilespmem:s22], [sflag:$0x1] =	stream.indirect_vreg.gather [hbm4b:s6+s3], $0x80, v3, vm0, $0xb8;
	[tilespmem:$0x18800] =	vst v63  }
0x43b: {  	v3 =	vld [tilespmem:$0x630];
	_ =	sdelay $0x4  }
0x43c: {  	v51 =	vshrl.u32 v3, $0x3  }
0x43d: {  	v4 =	vmul.u32 $0x30, v51  }
0x43e: {  	v3 =	vand.u32 $0x7, v3  }
0x43f: {  	v3 =	vor.u32 v3, v4  }
0x440: {  	v4 =	vperm.xlane v3, v0;
	_ =	sdelay $0x1  }
0x441: {  	v4 =	vadd.s32 v1, v4;
	_ =	sdelay $0x3  }
0x442: {  	s29 =	simm.s32 $0x9800;
	v3 =	vperm.xlane v3, v2  }
0x443: {  	[tilespmem:s29], [sflag:$0x1] =	stream.indirect_vreg.gather [hbm4b:s2+s3], $0x80, v4, vm0, $0xb8;
	[tilespmem:$0x18800] =	vst v63  }
0x444: {  	s23 =	simm.s32 $0xA000;
	v3 =	vadd.s32 v1, v3  }
0x445: {  	[tilespmem:s23], [sflag:$0x1] =	stream.indirect_vreg.gather [hbm4b:s5+s3], $0x80, v4, vm0, $0xb8;
	[tilespmem:$0x18800] =	vst v63  }
0x446: {  	s24 =	simm.s32 $0xA800  }
0x447: {  	[tilespmem:s24], [sflag:$0x1] =	stream.indirect_vreg.gather [hbm4b:s6+s3], $0x80, v4, vm0, $0xb8;
	[tilespmem:$0x18800] =	vst v63  }
0x448: {  	s25 =	simm.s32 $0xB000  }
0x449: {  	[tilespmem:s25], [sflag:$0x1] =	stream.indirect_vreg.gather [hbm4b:s2+s3], $0x80, v3, vm0, $0xb8;
	[tilespmem:$0x18800] =	vst v63  }
0x44a: {  	s7 =	simm.s32 $0xB800  }
0x44b: {  	[tilespmem:s7], [sflag:$0x1] =	stream.indirect_vreg.gather [hbm4b:s5+s3], $0x80, v3, vm0, $0xb8;
	[tilespmem:$0x18800] =	vst v63  }
0x44c: {  	s26 =	simm.s32 $0xC000  }
0x44d: {  	[tilespmem:s26], [sflag:$0x1] =	stream.indirect_vreg.gather [hbm4b:s6+s3], $0x80, v3, vm0, $0xb8;
	[tilespmem:$0x18800] =	vst v63  }
0x44e: {  	_ =	swait.ge [sflag:s11], $0xC000  }
0x44f: {  	[sflag:s11] =	ssyncset.done $0x0  }
0x450: {  	s30 =	rddreg [dreg:$0x10];
	[sflag:s11] =	ssyncadd.s32 $0xFFFF4000  }
0x451: {  	[hbm4b:s30+s3] =	stream.linear.scatter [tilespmem:s4], [sflag:$0x3], $0xC000, $0x38;
	[tilespmem:$0x18800] =	vst v63  }
0x452: {  	_ =	swait.ge [sflag:s8], $0xC000  }
0x453: {  	[sflag:s8] =	ssyncset.done $0x0  }
0x454: {  	[sflag:s8] =	ssyncadd.s32 $0xFFFF4000  }
0x455: {  	v3 =	vld [tilespmem:$0x680];
	_ =	sdelay $0x4  }
0x456: {  	v52 =	vshrl.u32 v3, $0x3  }
0x457: {  	v4 =	vmul.u32 $0x30, v52  }
0x458: {  	v3 =	vand.u32 $0x7, v3  }
0x459: {  	v3 =	vor.u32 v3, v4  }
0x45a: {  	v4 =	vperm.xlane v3, v0;
	_ =	sdelay $0x1  }
0x45b: {  	v4 =	vadd.s32 v1, v4;
	_ =	sdelay $0x3  }
0x45c: {  	v3 =	vperm.xlane v3, v2  }
0x45d: {  	[tilespmem:s4], [sflag:$0x2] =	stream.indirect_vreg.gather [hbm4b:s2+s3], $0x80, v4, vm0, $0xb8;
	[tilespmem:$0x18800] =	vst v63  }
0x45e: {  	s31 =	simm.s32 $0xD000;
	v3 =	vadd.s32 v1, v3  }
0x45f: {  	[tilespmem:s31], [sflag:$0x2] =	stream.indirect_vreg.gather [hbm4b:s5+s3], $0x80, v4, vm0, $0xb8;
	[tilespmem:$0x18800] =	vst v63  }
0x460: {  	s26 =	simm.s32 $0xD800  }
0x461: {  	[tilespmem:s26], [sflag:$0x2] =	stream.indirect_vreg.gather [hbm4b:s6+s3], $0x80, v4, vm0, $0xb8;
	[tilespmem:$0x18800] =	vst v63  }
0x462: {  	s29 =	simm.s32 $0xE000  }
0x463: {  	[tilespmem:s29], [sflag:$0x2] =	stream.indirect_vreg.gather [hbm4b:s2+s3], $0x80, v3, vm0, $0xb8;
	[tilespmem:$0x18800] =	vst v63  }
0x464: {  	s30 =	simm.s32 $0xE800  }
0x465: {  	[tilespmem:s30], [sflag:$0x2] =	stream.indirect_vreg.gather [hbm4b:s5+s3], $0x80, v3, vm0, $0xb8;
	[tilespmem:$0x18800] =	vst v63  }
0x466: {  	s31 =	simm.s32 $0xF000  }
0x467: {  	[tilespmem:s31], [sflag:$0x2] =	stream.indirect_vreg.gather [hbm4b:s6+s3], $0x80, v3, vm0, $0xb8;
	[tilespmem:$0x18800] =	vst v63  }
0x468: {  	v3 =	vld [tilespmem:$0x690];
	_ =	sdelay $0x4  }
0x469: {  	v53 =	vshrl.u32 v3, $0x3  }
0x46a: {  	v4 =	vmul.u32 $0x30, v53  }
0x46b: {  	v3 =	vand.u32 $0x7, v3  }
0x46c: {  	v3 =	vor.u32 v3, v4  }
0x46d: {  	v4 =	vperm.xlane v3, v0;
	_ =	sdelay $0x1  }
0x46e: {  	v4 =	vadd.s32 v1, v4;
	_ =	sdelay $0x3  }
0x46f: {  	s31 =	simm.s32 $0xF800;
	v3 =	vperm.xlane v3, v2  }
0x470: {  	[tilespmem:s31], [sflag:$0x2] =	stream.indirect_vreg.gather [hbm4b:s2+s3], $0x80, v4, vm0, $0xb8;
	[tilespmem:$0x18800] =	vst v63  }
0x471: {  	v3 =	vadd.s32 v1, v3;
	s31 =	simm.s32 $0x10000  }
0x472: {  	[tilespmem:s31], [sflag:$0x2] =	stream.indirect_vreg.gather [hbm4b:s5+s3], $0x80, v4, vm0, $0xb8;
	[tilespmem:$0x18800] =	vst v63  }
0x473: {  	s12 =	simm.s32 $0x10800  }
0x474: {  	[tilespmem:s12], [sflag:$0x2] =	stream.indirect_vreg.gather [hbm4b:s6+s3], $0x80, v4, vm0, $0xb8;
	[tilespmem:$0x18800] =	vst v63  }
0x475: {  	s12 =	simm.s32 $0x11000  }
0x476: {  	[tilespmem:s12], [sflag:$0x2] =	stream.indirect_vreg.gather [hbm4b:s2+s3], $0x80, v3, vm0, $0xb8;
	[tilespmem:$0x18800] =	vst v63  }
0x477: {  	s12 =	simm.s32 $0x11800  }
0x478: {  	[tilespmem:s12], [sflag:$0x2] =	stream.indirect_vreg.gather [hbm4b:s5+s3], $0x80, v3, vm0, $0xb8;
	[tilespmem:$0x18800] =	vst v63  }
0x479: {  	s12 =	simm.s32 $0x12000  }
0x47a: {  	[tilespmem:s12], [sflag:$0x2] =	stream.indirect_vreg.gather [hbm4b:s6+s3], $0x80, v3, vm0, $0xb8;
	[tilespmem:$0x18800] =	vst v63  }
0x47b: {  	v3 =	vld [tilespmem:$0x6A0];
	_ =	sdelay $0x4  }
0x47c: {  	v54 =	vshrl.u32 v3, $0x3  }
0x47d: {  	v4 =	vmul.u32 $0x30, v54  }
0x47e: {  	v3 =	vand.u32 $0x7, v3  }
0x47f: {  	v3 =	vor.u32 v3, v4  }
0x480: {  	v4 =	vperm.xlane v3, v0;
	_ =	sdelay $0x1  }
0x481: {  	v4 =	vadd.s32 v1, v4;
	_ =	sdelay $0x3  }
0x482: {  	s12 =	simm.s32 $0x12800;
	v3 =	vperm.xlane v3, v2  }
0x483: {  	[tilespmem:s12], [sflag:$0x2] =	stream.indirect_vreg.gather [hbm4b:s2+s3], $0x80, v4, vm0, $0xb8;
	[tilespmem:$0x18800] =	vst v63  }
0x484: {  	v3 =	vadd.s32 v1, v3;
	s12 =	simm.s32 $0x13000  }
0x485: {  	[tilespmem:s12], [sflag:$0x2] =	stream.indirect_vreg.gather [hbm4b:s5+s3], $0x80, v4, vm0, $0xb8;
	[tilespmem:$0x18800] =	vst v63  }
0x486: {  	s12 =	simm.s32 $0x13800  }
0x487: {  	[tilespmem:s12], [sflag:$0x2] =	stream.indirect_vreg.gather [hbm4b:s6+s3], $0x80, v4, vm0, $0xb8;
	[tilespmem:$0x18800] =	vst v63  }
0x488: {  	s12 =	simm.s32 $0x14000  }
0x489: {  	[tilespmem:s12], [sflag:$0x2] =	stream.indirect_vreg.gather [hbm4b:s2+s3], $0x80, v3, vm0, $0xb8;
	[tilespmem:$0x18800] =	vst v63  }
0x48a: {  	s12 =	simm.s32 $0x14800  }
0x48b: {  	[tilespmem:s12], [sflag:$0x2] =	stream.indirect_vreg.gather [hbm4b:s5+s3], $0x80, v3, vm0, $0xb8;
	[tilespmem:$0x18800] =	vst v63  }
0x48c: {  	s12 =	simm.s32 $0x15000  }
0x48d: {  	[tilespmem:s12], [sflag:$0x2] =	stream.indirect_vreg.gather [hbm4b:s6+s3], $0x80, v3, vm0, $0xb8;
	[tilespmem:$0x18800] =	vst v63  }
0x48e: {  	v3 =	vld [tilespmem:$0x6B0];
	_ =	sdelay $0x4  }
0x48f: {  	v55 =	vshrl.u32 v3, $0x3  }
0x490: {  	v4 =	vmul.u32 $0x30, v55  }
0x491: {  	v3 =	vand.u32 $0x7, v3  }
0x492: {  	v3 =	vor.u32 v3, v4  }
0x493: {  	v4 =	vperm.xlane v3, v0;
	_ =	sdelay $0x1  }
0x494: {  	v4 =	vadd.s32 v1, v4;
	_ =	sdelay $0x3  }
0x495: {  	s12 =	simm.s32 $0x15800;
	v3 =	vperm.xlane v3, v2  }
0x496: {  	[tilespmem:s12], [sflag:$0x2] =	stream.indirect_vreg.gather [hbm4b:s2+s3], $0x80, v4, vm0, $0xb8;
	[tilespmem:$0x18800] =	vst v63  }
0x497: {  	v3 =	vadd.s32 v1, v3;
	s12 =	simm.s32 $0x16000  }
0x498: {  	[tilespmem:s12], [sflag:$0x2] =	stream.indirect_vreg.gather [hbm4b:s5+s3], $0x80, v4, vm0, $0xb8;
	[tilespmem:$0x18800] =	vst v63  }
0x499: {  	s12 =	simm.s32 $0x16800  }
0x49a: {  	[tilespmem:s12], [sflag:$0x2] =	stream.indirect_vreg.gather [hbm4b:s6+s3], $0x80, v4, vm0, $0xb8;
	[tilespmem:$0x18800] =	vst v63  }
0x49b: {  	s12 =	simm.s32 $0x17000  }
0x49c: {  	[tilespmem:s12], [sflag:$0x2] =	stream.indirect_vreg.gather [hbm4b:s2+s3], $0x80, v3, vm0, $0xb8;
	[tilespmem:$0x18800] =	vst v63  }
0x49d: {  	s12 =	simm.s32 $0x17800  }
0x49e: {  	[tilespmem:s12], [sflag:$0x2] =	stream.indirect_vreg.gather [hbm4b:s5+s3], $0x80, v3, vm0, $0xb8;
	[tilespmem:$0x18800] =	vst v63  }
0x49f: {  	s12 =	simm.s32 $0x18000  }
0x4a0: {  	[tilespmem:s12], [sflag:$0x2] =	stream.indirect_vreg.gather [hbm4b:s6+s3], $0x80, v3, vm0, $0xb8;
	[tilespmem:$0x18800] =	vst v63  }
0x4a1: {  	_ =	swait.ge [sflag:s10], $0xC000  }
0x4a2: {  	[sflag:s10] =	ssyncset.done $0x0  }
0x4a3: {  	s12 =	rddreg [dreg:$0x11];
	[sflag:s10] =	ssyncadd.s32 $0xFFFF4000  }
0x4a4: {  	[hbm4b:s12+s3] =	stream.linear.scatter [tilespmem:s28], [sflag:$0x3], $0xC000, $0x38;
	[tilespmem:$0x18800] =	vst v63  }
0x4a5: {  	_ =	swait.ge [sflag:s8], $0xC000  }
0x4a6: {  	[sflag:s8] =	ssyncset.done $0x0  }
0x4a7: {  	[sflag:s8] =	ssyncadd.s32 $0xFFFF4000  }
0x4a8: {  	v3 =	vld [tilespmem:$0x700];
	_ =	sdelay $0x4  }
0x4a9: {  	v56 =	vshrl.u32 v3, $0x3  }
0x4aa: {  	v4 =	vmul.u32 $0x30, v56  }
0x4ab: {  	v3 =	vand.u32 $0x7, v3  }
0x4ac: {  	v3 =	vor.u32 v3, v4  }
0x4ad: {  	v4 =	vperm.xlane v3, v0;
	_ =	sdelay $0x1  }
0x4ae: {  	v4 =	vadd.s32 v1, v4;
	_ =	sdelay $0x3  }
0x4af: {  	v3 =	vperm.xlane v3, v2  }
0x4b0: {  	[tilespmem:s28], [sflag:$0x1] =	stream.indirect_vreg.gather [hbm4b:s2+s3], $0x80, v4, vm0, $0xb8;
	[tilespmem:$0x18800] =	vst v63  }
0x4b1: {  	s13 =	simm.s32 $0x1000;
	v3 =	vadd.s32 v1, v3  }
0x4b2: {  	[tilespmem:s13], [sflag:$0x1] =	stream.indirect_vreg.gather [hbm4b:s5+s3], $0x80, v4, vm0, $0xb8;
	[tilespmem:$0x18800] =	vst v63  }
0x4b3: {  	s0 =	simm.s32 $0x1800  }
0x4b4: {  	[tilespmem:s0], [sflag:$0x1] =	stream.indirect_vreg.gather [hbm4b:s6+s3], $0x80, v4, vm0, $0xb8;
	[tilespmem:$0x18800] =	vst v63  }
0x4b5: {  	s1 =	simm.s32 $0x2000  }
0x4b6: {  	[tilespmem:s1], [sflag:$0x1] =	stream.indirect_vreg.gather [hbm4b:s2+s3], $0x80, v3, vm0, $0xb8;
	[tilespmem:$0x18800] =	vst v63  }
0x4b7: {  	s9 =	simm.s32 $0x2800  }
0x4b8: {  	[tilespmem:s9], [sflag:$0x1] =	stream.indirect_vreg.gather [hbm4b:s5+s3], $0x80, v3, vm0, $0xb8;
	[tilespmem:$0x18800] =	vst v63  }
0x4b9: {  	s12 =	simm.s32 $0x3000  }
0x4ba: {  	[tilespmem:s12], [sflag:$0x1] =	stream.indirect_vreg.gather [hbm4b:s6+s3], $0x80, v3, vm0, $0xb8;
	[tilespmem:$0x18800] =	vst v63  }
0x4bb: {  	v3 =	vld [tilespmem:$0x710];
	_ =	sdelay $0x4  }
0x4bc: {  	v57 =	vshrl.u32 v3, $0x3  }
0x4bd: {  	v4 =	vmul.u32 $0x30, v57  }
0x4be: {  	v3 =	vand.u32 $0x7, v3  }
0x4bf: {  	v3 =	vor.u32 v3, v4  }
0x4c0: {  	v4 =	vperm.xlane v3, v0;
	_ =	sdelay $0x1  }
0x4c1: {  	v4 =	vadd.s32 v1, v4;
	_ =	sdelay $0x3  }
0x4c2: {  	s13 =	simm.s32 $0x3800;
	v3 =	vperm.xlane v3, v2  }
0x4c3: {  	[tilespmem:s13], [sflag:$0x1] =	stream.indirect_vreg.gather [hbm4b:s2+s3], $0x80, v4, vm0, $0xb8;
	[tilespmem:$0x18800] =	vst v63  }
0x4c4: {  	s14 =	simm.s32 $0x4000;
	v3 =	vadd.s32 v1, v3  }
0x4c5: {  	[tilespmem:s14], [sflag:$0x1] =	stream.indirect_vreg.gather [hbm4b:s5+s3], $0x80, v4, vm0, $0xb8;
	[tilespmem:$0x18800] =	vst v63  }
0x4c6: {  	s15 =	simm.s32 $0x4800  }
0x4c7: {  	[tilespmem:s15], [sflag:$0x1] =	stream.indirect_vreg.gather [hbm4b:s6+s3], $0x80, v4, vm0, $0xb8;
	[tilespmem:$0x18800] =	vst v63  }
0x4c8: {  	s16 =	simm.s32 $0x5000  }
0x4c9: {  	[tilespmem:s16], [sflag:$0x1] =	stream.indirect_vreg.gather [hbm4b:s2+s3], $0x80, v3, vm0, $0xb8;
	[tilespmem:$0x18800] =	vst v63  }
0x4ca: {  	s17 =	simm.s32 $0x5800  }
0x4cb: {  	[tilespmem:s17], [sflag:$0x1] =	stream.indirect_vreg.gather [hbm4b:s5+s3], $0x80, v3, vm0, $0xb8;
	[tilespmem:$0x18800] =	vst v63  }
0x4cc: {  	s16 =	simm.s32 $0x6000  }
0x4cd: {  	[tilespmem:s16], [sflag:$0x1] =	stream.indirect_vreg.gather [hbm4b:s6+s3], $0x80, v3, vm0, $0xb8;
	[tilespmem:$0x18800] =	vst v63  }
0x4ce: {  	v3 =	vld [tilespmem:$0x720];
	_ =	sdelay $0x4  }
0x4cf: {  	v58 =	vshrl.u32 v3, $0x3  }
0x4d0: {  	v4 =	vmul.u32 $0x30, v58  }
0x4d1: {  	v3 =	vand.u32 $0x7, v3  }
0x4d2: {  	v3 =	vor.u32 v3, v4  }
0x4d3: {  	v4 =	vperm.xlane v3, v0;
	_ =	sdelay $0x1  }
0x4d4: {  	v4 =	vadd.s32 v1, v4;
	_ =	sdelay $0x3  }
0x4d5: {  	s17 =	simm.s32 $0x6800;
	v3 =	vperm.xlane v3, v2  }
0x4d6: {  	[tilespmem:s17], [sflag:$0x1] =	stream.indirect_vreg.gather [hbm4b:s2+s3], $0x80, v4, vm0, $0xb8;
	[tilespmem:$0x18800] =	vst v63  }
0x4d7: {  	s18 =	simm.s32 $0x7000;
	v3 =	vadd.s32 v1, v3  }
0x4d8: {  	[tilespmem:s18], [sflag:$0x1] =	stream.indirect_vreg.gather [hbm4b:s5+s3], $0x80, v4, vm0, $0xb8;
	[tilespmem:$0x18800] =	vst v63  }
0x4d9: {  	s19 =	simm.s32 $0x7800  }
0x4da: {  	[tilespmem:s19], [sflag:$0x1] =	stream.indirect_vreg.gather [hbm4b:s6+s3], $0x80, v4, vm0, $0xb8;
	[tilespmem:$0x18800] =	vst v63  }
0x4db: {  	s20 =	simm.s32 $0x8000  }
0x4dc: {  	[tilespmem:s20], [sflag:$0x1] =	stream.indirect_vreg.gather [hbm4b:s2+s3], $0x80, v3, vm0, $0xb8;
	[tilespmem:$0x18800] =	vst v63  }
0x4dd: {  	s21 =	simm.s32 $0x8800  }
0x4de: {  	[tilespmem:s21], [sflag:$0x1] =	stream.indirect_vreg.gather [hbm4b:s5+s3], $0x80, v3, vm0, $0xb8;
	[tilespmem:$0x18800] =	vst v63  }
0x4df: {  	s20 =	simm.s32 $0x9000  }
0x4e0: {  	[tilespmem:s20], [sflag:$0x1] =	stream.indirect_vreg.gather [hbm4b:s6+s3], $0x80, v3, vm0, $0xb8;
	[tilespmem:$0x18800] =	vst v63  }
0x4e1: {  	v3 =	vld [tilespmem:$0x730];
	_ =	sdelay $0x4  }
0x4e2: {  	v59 =	vshrl.u32 v3, $0x3  }
0x4e3: {  	v4 =	vmul.u32 $0x30, v59  }
0x4e4: {  	v3 =	vand.u32 $0x7, v3  }
0x4e5: {  	v3 =	vor.u32 v3, v4  }
0x4e6: {  	v4 =	vperm.xlane v3, v0;
	_ =	sdelay $0x1  }
0x4e7: {  	v4 =	vadd.s32 v1, v4;
	_ =	sdelay $0x3  }
0x4e8: {  	s21 =	simm.s32 $0x9800;
	v3 =	vperm.xlane v3, v2  }
0x4e9: {  	[tilespmem:s21], [sflag:$0x1] =	stream.indirect_vreg.gather [hbm4b:s2+s3], $0x80, v4, vm0, $0xb8;
	[tilespmem:$0x18800] =	vst v63  }
0x4ea: {  	s22 =	simm.s32 $0xA000;
	v3 =	vadd.s32 v1, v3  }
0x4eb: {  	[tilespmem:s22], [sflag:$0x1] =	stream.indirect_vreg.gather [hbm4b:s5+s3], $0x80, v4, vm0, $0xb8;
	[tilespmem:$0x18800] =	vst v63  }
0x4ec: {  	s23 =	simm.s32 $0xA800  }
0x4ed: {  	[tilespmem:s23], [sflag:$0x1] =	stream.indirect_vreg.gather [hbm4b:s6+s3], $0x80, v4, vm0, $0xb8;
	[tilespmem:$0x18800] =	vst v63  }
0x4ee: {  	s24 =	simm.s32 $0xB000  }
0x4ef: {  	[tilespmem:s24], [sflag:$0x1] =	stream.indirect_vreg.gather [hbm4b:s2+s3], $0x80, v3, vm0, $0xb8;
	[tilespmem:$0x18800] =	vst v63  }
0x4f0: {  	s25 =	simm.s32 $0xB800  }
0x4f1: {  	[tilespmem:s25], [sflag:$0x1] =	stream.indirect_vreg.gather [hbm4b:s5+s3], $0x80, v3, vm0, $0xb8;
	[tilespmem:$0x18800] =	vst v63  }
0x4f2: {  	s7 =	simm.s32 $0xC000  }
0x4f3: {  	[tilespmem:s7], [sflag:$0x1] =	stream.indirect_vreg.gather [hbm4b:s6+s3], $0x80, v3, vm0, $0xb8;
	[tilespmem:$0x18800] =	vst v63  }
0x4f4: {  	_ =	swait.ge [sflag:s11], $0xC000  }
0x4f5: {  	[sflag:s11] =	ssyncset.done $0x0  }
0x4f6: {  	s0 =	rddreg [dreg:$0x12];
	[sflag:s11] =	ssyncadd.s32 $0xFFFF4000  }
0x4f7: {  	[hbm4b:s0+s3] =	stream.linear.scatter [tilespmem:s4], [sflag:$0x3], $0xC000, $0x38;
	[tilespmem:$0x18800] =	vst v63  }
0x4f8: {  	_ =	swait.ge [sflag:s8], $0xC000  }
0x4f9: {  	[sflag:s8] =	ssyncset.done $0x0  }
0x4fa: {  	[sflag:s8] =	ssyncadd.s32 $0xFFFF4000  }
0x4fb: {  	v3 =	vld [tilespmem:$0x780];
	_ =	sdelay $0x4  }
0x4fc: {  	v60 =	vshrl.u32 v3, $0x3  }
0x4fd: {  	v4 =	vmul.u32 $0x30, v60  }
0x4fe: {  	v3 =	vand.u32 $0x7, v3  }
0x4ff: {  	v3 =	vor.u32 v3, v4  }
0x500: {  	v4 =	vperm.xlane v3, v0;
	_ =	sdelay $0x1  }
0x501: {  	v4 =	vadd.s32 v1, v4;
	_ =	sdelay $0x3  }
0x502: {  	v3 =	vperm.xlane v3, v2  }
0x503: {  	[tilespmem:s4], [sflag:$0x2] =	stream.indirect_vreg.gather [hbm4b:s2+s3], $0x80, v4, vm0, $0xb8;
	[tilespmem:$0x18800] =	vst v63  }
0x504: {  	s1 =	simm.s32 $0xD000;
	v3 =	vadd.s32 v1, v3  }
0x505: {  	[tilespmem:s1], [sflag:$0x2] =	stream.indirect_vreg.gather [hbm4b:s5+s3], $0x80, v4, vm0, $0xb8;
	[tilespmem:$0x18800] =	vst v63  }
0x506: {  	s26 =	simm.s32 $0xD800  }
0x507: {  	[tilespmem:s26], [sflag:$0x2] =	stream.indirect_vreg.gather [hbm4b:s6+s3], $0x80, v4, vm0, $0xb8;
	[tilespmem:$0x18800] =	vst v63  }
0x508: {  	s29 =	simm.s32 $0xE000  }
0x509: {  	[tilespmem:s29], [sflag:$0x2] =	stream.indirect_vreg.gather [hbm4b:s2+s3], $0x80, v3, vm0, $0xb8;
	[tilespmem:$0x18800] =	vst v63  }
0x50a: {  	s30 =	simm.s32 $0xE800  }
0x50b: {  	[tilespmem:s30], [sflag:$0x2] =	stream.indirect_vreg.gather [hbm4b:s5+s3], $0x80, v3, vm0, $0xb8;
	[tilespmem:$0x18800] =	vst v63  }
0x50c: {  	s7 =	simm.s32 $0xF000  }
0x50d: {  	[tilespmem:s7], [sflag:$0x2] =	stream.indirect_vreg.gather [hbm4b:s6+s3], $0x80, v3, vm0, $0xb8;
	[tilespmem:$0x18800] =	vst v63  }
0x50e: {  	v3 =	vld [tilespmem:$0x790];
	_ =	sdelay $0x4  }
0x50f: {  	v61 =	vshrl.u32 v3, $0x3  }
0x510: {  	v4 =	vmul.u32 $0x30, v61  }
0x511: {  	v3 =	vand.u32 $0x7, v3  }
0x512: {  	v3 =	vor.u32 v3, v4  }
0x513: {  	v4 =	vperm.xlane v3, v0;
	_ =	sdelay $0x1  }
0x514: {  	v4 =	vadd.s32 v1, v4;
	_ =	sdelay $0x3  }
0x515: {  	s9 =	simm.s32 $0xF800;
	v3 =	vperm.xlane v3, v2  }
0x516: {  	[tilespmem:s9], [sflag:$0x2] =	stream.indirect_vreg.gather [hbm4b:s2+s3], $0x80, v4, vm0, $0xb8;
	[tilespmem:$0x18800] =	vst v63  }
0x517: {  	s31 =	simm.s32 $0x10000;
	v3 =	vadd.s32 v1, v3  }
0x518: {  	[tilespmem:s31], [sflag:$0x2] =	stream.indirect_vreg.gather [hbm4b:s5+s3], $0x80, v4, vm0, $0xb8;
	[tilespmem:$0x18800] =	vst v63  }
0x519: {  	s12 =	simm.s32 $0x10800  }
0x51a: {  	[tilespmem:s12], [sflag:$0x2] =	stream.indirect_vreg.gather [hbm4b:s6+s3], $0x80, v4, vm0, $0xb8;
	[tilespmem:$0x18800] =	vst v63  }
0x51b: {  	s13 =	simm.s32 $0x11000  }
0x51c: {  	[tilespmem:s13], [sflag:$0x2] =	stream.indirect_vreg.gather [hbm4b:s2+s3], $0x80, v3, vm0, $0xb8;
	[tilespmem:$0x18800] =	vst v63  }
0x51d: {  	s14 =	simm.s32 $0x11800  }
0x51e: {  	[tilespmem:s14], [sflag:$0x2] =	stream.indirect_vreg.gather [hbm4b:s5+s3], $0x80, v3, vm0, $0xb8;
	[tilespmem:$0x18800] =	vst v63  }
0x51f: {  	s15 =	simm.s32 $0x12000  }
0x520: {  	[tilespmem:s15], [sflag:$0x2] =	stream.indirect_vreg.gather [hbm4b:s6+s3], $0x80, v3, vm0, $0xb8;
	[tilespmem:$0x18800] =	vst v63  }
0x521: {  	v3 =	vld [tilespmem:$0x7A0];
	_ =	sdelay $0x4  }
0x522: {  	v62 =	vshrl.u32 v3, $0x3  }
0x523: {  	v4 =	vmul.u32 $0x30, v62  }
0x524: {  	v3 =	vand.u32 $0x7, v3  }
0x525: {  	v3 =	vor.u32 v3, v4  }
0x526: {  	v4 =	vperm.xlane v3, v0;
	_ =	sdelay $0x1  }
0x527: {  	v4 =	vadd.s32 v1, v4;
	_ =	sdelay $0x3  }
0x528: {  	s16 =	simm.s32 $0x12800;
	v3 =	vperm.xlane v3, v2  }
0x529: {  	[tilespmem:s16], [sflag:$0x2] =	stream.indirect_vreg.gather [hbm4b:s2+s3], $0x80, v4, vm0, $0xb8;
	[tilespmem:$0x18800] =	vst v63  }
0x52a: {  	s17 =	simm.s32 $0x13000;
	v3 =	vadd.s32 v1, v3  }
0x52b: {  	[tilespmem:s17], [sflag:$0x2] =	stream.indirect_vreg.gather [hbm4b:s5+s3], $0x80, v4, vm0, $0xb8;
	[tilespmem:$0x18800] =	vst v63  }
0x52c: {  	s18 =	simm.s32 $0x13800  }
0x52d: {  	[tilespmem:s18], [sflag:$0x2] =	stream.indirect_vreg.gather [hbm4b:s6+s3], $0x80, v4, vm0, $0xb8;
	[tilespmem:$0x18800] =	vst v63  }
0x52e: {  	s19 =	simm.s32 $0x14000  }
0x52f: {  	[tilespmem:s19], [sflag:$0x2] =	stream.indirect_vreg.gather [hbm4b:s2+s3], $0x80, v3, vm0, $0xb8;
	[tilespmem:$0x18800] =	vst v63  }
0x530: {  	s20 =	simm.s32 $0x14800  }
0x531: {  	[tilespmem:s20], [sflag:$0x2] =	stream.indirect_vreg.gather [hbm4b:s5+s3], $0x80, v3, vm0, $0xb8;
	[tilespmem:$0x18800] =	vst v63  }
0x532: {  	s21 =	simm.s32 $0x15000  }
0x533: {  	[tilespmem:s21], [sflag:$0x2] =	stream.indirect_vreg.gather [hbm4b:s6+s3], $0x80, v3, vm0, $0xb8;
	[tilespmem:$0x18800] =	vst v63  }
0x534: {  	v3 =	vld [tilespmem:$0x7B0];
	_ =	sdelay $0x4  }
0x535: {  	v63 =	vshrl.u32 v3, $0x3  }
0x536: {  	v4 =	vmul.u32 $0x30, v63  }
0x537: {  	v3 =	vand.u32 $0x7, v3  }
0x538: {  	v3 =	vor.u32 v3, v4  }
0x539: {  	v4 =	vperm.xlane v3, v0;
	_ =	sdelay $0x1  }
0x53a: {  	v4 =	vadd.s32 v1, v4;
	_ =	sdelay $0x3  }
0x53b: {  	s22 =	simm.s32 $0x15800;
	v3 =	vperm.xlane v3, v2  }
0x53c: {  	[tilespmem:s22], [sflag:$0x2] =	stream.indirect_vreg.gather [hbm4b:s2+s3], $0x80, v4, vm0, $0xb8;
	[tilespmem:$0x18800] =	vst v63  }
0x53d: {  	s23 =	simm.s32 $0x16000;
	v3 =	vadd.s32 v1, v3  }
0x53e: {  	[tilespmem:s23], [sflag:$0x2] =	stream.indirect_vreg.gather [hbm4b:s5+s3], $0x80, v4, vm0, $0xb8;
	[tilespmem:$0x18800] =	vst v63  }
0x53f: {  	s24 =	simm.s32 $0x16800  }
0x540: {  	[tilespmem:s24], [sflag:$0x2] =	stream.indirect_vreg.gather [hbm4b:s6+s3], $0x80, v4, vm0, $0xb8;
	[tilespmem:$0x18800] =	vst v63  }
0x541: {  	s25 =	simm.s32 $0x17000  }
0x542: {  	[tilespmem:s25], [sflag:$0x2] =	stream.indirect_vreg.gather [hbm4b:s2+s3], $0x80, v3, vm0, $0xb8;
	[tilespmem:$0x18800] =	vst v63  }
0x543: {  	s26 =	simm.s32 $0x17800  }
0x544: {  	[tilespmem:s26], [sflag:$0x2] =	stream.indirect_vreg.gather [hbm4b:s5+s3], $0x80, v3, vm0, $0xb8;
	[tilespmem:$0x18800] =	vst v63  }
0x545: {  	s29 =	simm.s32 $0x18000  }
0x546: {  	[tilespmem:s29], [sflag:$0x2] =	stream.indirect_vreg.gather [hbm4b:s6+s3], $0x80, v3, vm0, $0xb8;
	[tilespmem:$0x18800] =	vst v63  }
0x547: {  	s1 =	rddreg [dreg:$0x17];
	_ =	swait.ge [sflag:s10], $0xC000  }
0x548: {  	[sflag:s10] =	ssyncset.done $0x0  }
0x549: {  	s30 =	rddreg [dreg:$0x13];
	[sflag:s10] =	ssyncadd.s32 $0xFFFF4000  }
0x54a: {  	[hbm4b:s30+s3] =	stream.linear.scatter [tilespmem:s28], [sflag:$0x3], $0xC000, $0x38;
	[tilespmem:$0x18800] =	vst v63  }
0x54b: {  	_ =	swait.ge [sflag:s8], $0xC000  }
0x54c: {  	[sflag:s8] =	ssyncset.done $0x0  }
0x54d: {  	[sflag:s8] =	ssyncadd.s32 $0xFFFF4000  }
0x54e: {  	_ =	swait.ge [sflag:s11], $0xC000  }
0x54f: {  	p0 =	sne.s32 s1, $0x1;
	[sflag:s11] =	ssyncset.done $0x0  }
.Ltmp0:
0x550: {  	s31 =	rddreg [dreg:$0x14];
	[sflag:s11] =	ssyncadd.s32 $0xFFFF4000;
	(pc) =	sbr.rel @p0 .LBB2_1-.Ltmp0, $4  }
0x551: {  	[hbm4b:s31+s3] =	stream.linear.scatter [tilespmem:s4], [sflag:$0x3], $0xC000, $0x38;
	[tilespmem:$0x18800] =	vst v63  }
0x552: {  	_ =	swait.ge [sflag:s8], $0xC000  }
0x553: {  	[sflag:s8] =	ssyncset.done $0x0  }
0x554: {  	s1 =	sadd.s32 $0xFFFFFFFF, s1;
	[sflag:s8] =	ssyncadd.s32 $0xFFFF4000  }
0x555: {  	_ =	sfence.sel $0x180000  }
0x556: {  	[bflag:$0x0] =	sbarrier.arrive $0xFFFF  }
0x557: {  	_ =	strace $0x90000047  }
0x558: {  	s0 =	stileid.u32;
	[bflag:$0x2] =	sbarrier.arrive $0xFFFF  }
0x559: {  	p0 =	sne.s32 s0, $0x0;
	s0 =	rddreg [dreg:$0x3]  }
0x55a: {  	s0 =	sadd.s32 @!p0 $0x100000, s0  }
0x55b: {  	[sflag:s0] =	ssyncadd.tile.s32 @!p0 $0x1;
	_ =	shalt  }
.Lfunc_end2:
_tile_overlayer_lowered:
.L_overlay_start_2:
0x55c: {  	(tag) =	ssettag $0x2  }
0x55d: {  	s0 =	rddreg [dreg:$0x0];
	s2 =	stileid.u32  }
0x55e: {  	s1 =	rddreg [dreg:$0x1];
	p0 =	sne.s32 s2, $0x0  }
0x55f: {  	s3 =	rddreg [dreg:$0x2];
	[bflag:$0x3] =	sbarrier.arrive $0xFFFF;
	s2 =	simm.s32 @!p0 $0x1C03  }
0x560: {  	[timem:s3], [sflag:s2] =	dma.local @!p0 [hbm:s0], s1  }
0x561: {  	s0 =	simm.s32 @!p0 $0x3  }
0x562: {  	_ =	swait.ge @!p0 [sflag:s0], s1  }
0x563: {  	s1 =	ssub.s32 @!p0 $0x0, s1;
	[sflag:s0] =	ssyncset.done @!p0 $0x0  }
0x564: {  	[sflag:s0] =	ssyncadd.s32 @!p0 s1  }
0x565: {  	[bflag:$0x3] =	sbarrier.arrive $0xFFFF  }
0x566: {  	_ =	shalt  }

</sc_bundles>
